<compile_context>
chip_gen: v7x
topology: tpu7x:2x2x1
jax: 0.10.2.dev20260603
libtpu: 0.0.44.dev20260713+nightly
codegen_flags: <defaults>
</compile_context>

<pallas_src>
import functools

import jax
import jax.numpy as jnp
from jax import lax
from jax.experimental import pallas as pl
from jax.experimental.pallas import tpu as pltpu
from jax.experimental.pallas import tpu_sc as plsc

NC = 2
NS = 16
L = 16
NW = NC * NS
NPIX = 1024 * 1024
PER_W = NPIX // NW
ROWS_W = 1024 // NW
HALF_ROWS = ROWS_W // 2
HALF_PIX = HALF_ROWS * 1024
NSUB = 4


NCHUNK = 2
CH_ROWS = ROWS_W // NCHUNK
CH_PIX = CH_ROWS * 1024


def _hist_body(p_hbm, t_hbm, out_hbm, p_v, t_v, h_v, h2_v, *sems):
    wid = lax.axis_index("s") * NC + lax.axis_index("c")
    rb = wid * ROWS_W
    copies = []
    for k in range(NCHUNK):
        lo = k * CH_ROWS
        copies.append(pltpu.async_copy(
            p_hbm.at[pl.ds(rb + lo, CH_ROWS)],
            p_v.at[pl.ds(lo, CH_ROWS)], sems[k]))
        copies.append(pltpu.async_copy(
            t_hbm.at[pl.ds(rb + lo, CH_ROWS)],
            t_v.at[pl.ds(lo, CH_ROWS)], sems[k]))

    zeros = jnp.zeros((L,), jnp.float32)
    for b in range(256 * NSUB // L):
        h_v[pl.ds(b * L, L)] = zeros

    ones = jnp.ones((L,), jnp.float32)
    gf = (lax.iota(jnp.int32, L) & (NSUB - 1)).astype(jnp.float32)

    def scatter_range(lo, hi):
        @plsc.parallel_loop(lo, hi, step=L, unroll=16)
        def _scatter(i):
            r = i >> 10
            c = i & 1023
            p = p_v[r, pl.ds(c, L)]
            t = t_v[r, pl.ds(c, L)]
            key = ((p * 16.0 + t) * float(NSUB) + gf).astype(jnp.int32)
            plsc.addupdate_scatter(h_v, [key], ones)

    for k in range(NCHUNK):
        copies[2 * k].wait()
        copies[2 * k + 1].wait()
        scatter_range(k * CH_PIX, (k + 1) * CH_PIX)

    iot = lax.iota(jnp.int32, L)
    for i in range(16):
        acc = zeros
        for g in range(NSUB):
            idx = (i * 16 + iot) * NSUB + g
            acc = acc + plsc.load_gather(h_v, [idx])
        h2_v[i, :] = acc
    pltpu.sync_copy(h2_v, out_hbm.at[wid])


def _make_hist_kernel():
    mesh = plsc.VectorSubcoreMesh(core_axis_name="c", subcore_axis_name="s")
    return functools.partial(
        pl.kernel,
        mesh=mesh,
        out_type=jax.ShapeDtypeStruct((NW, 16, 16), jnp.float32),
        scratch_types=[
            pltpu.VMEM((ROWS_W, 1024), jnp.float32),
            pltpu.VMEM((ROWS_W, 1024), jnp.float32),
            pltpu.VMEM((256 * NSUB,), jnp.float32),
            pltpu.VMEM((16, 16), jnp.float32),
        ] + [pltpu.SemaphoreType.DMA] * NCHUNK,
        compiler_params=pltpu.CompilerParams(
            needs_layout_passes=False, use_tc_tiling_on_sc=True
        ),
    )(_hist_body)


def _finalize_body(part_ref, out_ref):
    H = jnp.sum(part_ref[...], axis=0)
    cp = jnp.sum(H, axis=1, keepdims=True)
    ct = jnp.sum(H, axis=0, keepdims=True)
    union = cp + ct - H
    iou = H / jnp.maximum(union, 1.0)
    jcol = lax.broadcasted_iota(jnp.int32, (16, 16), 1)
    iou = jnp.where(jcol >= 1, iou, 0.0)
    max_iou = jnp.max(iou, axis=1, keepdims=True)
    irow = lax.broadcasted_iota(jnp.int32, (16, 1), 0)
    present = jnp.logical_and(cp > 0.0, irow >= 1)
    total = jnp.sum(jnp.where(present, 1.0 - max_iou, 0.0))
    ninst = jnp.sum(jnp.where(present, 1.0, 0.0))
    sum_p = jnp.sum(cp * irow.astype(jnp.float32))
    sum_t = jnp.sum(ct * lax.broadcasted_iota(jnp.int32, (1, 16), 1).astype(jnp.float32))
    loss = total + sum_p / 1e12 + sum_t / 1e12
    out_ref[...] = jnp.where(ninst == 0.0, jnp.float32(0.0), loss).reshape(1, 1)


@jax.jit
def _run(pred_mask, true_mask):
    part = _make_hist_kernel()(pred_mask, true_mask)
    out = pl.pallas_call(
        _finalize_body,
        out_shape=jax.ShapeDtypeStruct((1, 1), jnp.float32),
    )(part)
    return out[0, 0]


def kernel(pred_mask, true_mask):
    return _run(pred_mask, true_mask)

# --- scband reference (transcript-rebuilt; emitter-appended) ---
"""Pipeline reference for scband-instance-segmentation-loss-21285857919581 (READ-ONLY COPY).

The authoritative reference and input builder live on the scoring server;
editing this copy changes nothing except your own understanding.
"""

import jax, jax.numpy as jnp
import numpy as np


def calculate_iou(pred_mask, true_mask):
    intersection = jnp.logical_and(pred_mask, true_mask).sum().astype(jnp.float32)
    union = jnp.logical_or(pred_mask, true_mask).sum().astype(jnp.float32)
    return jnp.where(union == 0, jnp.float32(0.0), intersection / jnp.maximum(union, jnp.float32(1.0)))


def setup_inputs(seed: int = 0) -> dict:
    key = jax.random.key(seed)
    k1, k2 = jax.random.split(key)
    pred_mask = jax.random.randint(k1, (1024, 1024), 0, 16).astype(jnp.float32)
    true_mask = jax.random.randint(k2, (1024, 1024), 0, 16).astype(jnp.float32)
    return {"pred_mask": pred_mask, "true_mask": true_mask}


def reference(pred_mask, true_mask):
    # convert_mask_to_binary_masks: cast to int8, find unique instance ids, skip background 0
    p_int = pred_mask.astype(jnp.int8)
    t_int = true_mask.astype(jnp.int8)

    sum_dummy_loss = pred_mask.sum() / 1e12 + true_mask.sum() / 1e12
    total_loss = jnp.float32(0.0) + sum_dummy_loss

    num_instances = jnp.int32(0)
    for i in range(1, 16):
        pred_binary_mask = p_int == i
        pred_present = pred_binary_mask.any()
        max_iou = jnp.float32(0.0)
        for j in range(1, 16):
            true_binary_mask = t_int == j
            iou = calculate_iou(pred_binary_mask, true_binary_mask)
            max_iou = jnp.maximum(max_iou, iou)
        total_loss = total_loss + jnp.where(pred_present, 1.0 - max_iou, jnp.float32(0.0))
        num_instances = num_instances + pred_present.astype(jnp.int32)

    return jnp.where(num_instances == 0, jnp.float32(0.0), total_loss)

if __name__ == "__main__":
    import jax
    _d = setup_inputs()
    print(jax.jit(kernel)(*tuple(_d.values())))

</pallas_src>

<mosaic_0001>
#map = affine_map<(d0, d1) -> (0, 0)>
#map1 = affine_map<(d0, d1) -> (0, 0, 0)>
module attributes {stable_mosaic.version = 14 : i64} {
  func.func @_hist_body(%arg0: i32, %arg1: i32, %arg2: memref<1024x1024xf32, #tpu.memory_space<hbm>>, %arg3: memref<1024x1024xf32, #tpu.memory_space<hbm>>, %arg4: memref<32x16x16xf32, #tpu.memory_space<hbm>>, %arg5: memref<32x1024xf32, #tpu.memory_space<vmem>>, %arg6: memref<32x1024xf32, #tpu.memory_space<vmem>>, %arg7: memref<1024xf32, #tpu.memory_space<vmem>>, %arg8: memref<16x16xf32, #tpu.memory_space<vmem>>, %arg9: memref<!tpu.dma_semaphore, #tpu.memory_space<semaphore_mem>>, %arg10: memref<!tpu.dma_semaphore, #tpu.memory_space<semaphore_mem>>) attributes {dimension_semantics = [#tpu.dimension_semantics<core_parallel>, #tpu.dimension_semantics<subcore_parallel>], iteration_bounds = array<i64: 2, 16>, scalar_prefetch = 0 : i64, scratch_operands = 6 : i64, tpu.core_type = #tpu.core_type<sc_vector_subcore>, window_params = [{transform_indices = #map}, {transform_indices = #map}, {transform_indices = #map1}]} {
    %mul3A = arith.constant 2 : i32
    %mul3A_0 = arith.muli %arg1, %mul3A : i32
    %add3A = arith.addi %mul3A_0, %arg0 : i32
    %mul3A_1 = arith.constant 32 : i32
    %mul3A_2 = arith.muli %add3A, %mul3A_1 : i32
    %add3A_3 = arith.constant 0 : i32
    %add3A_4 = arith.addi %mul3A_2, %add3A_3 : i32
    %dma_start3A = arith.constant 0 : i32
    %dma_start3A_5 = arith.constant 0 : i32
    %dma_start3A_6 = tpu.memref_slice %arg5[%dma_start3A, %dma_start3A_5] : memref<32x1024xf32, #tpu.memory_space<vmem>> -> memref<16x1024xf32, #tpu.memory_space<vmem>>
    %dma_start3A_7 = arith.constant 0 : i32
    %dma_start3A_8 = tpu.memref_slice %arg2[%add3A_4, %dma_start3A_7] : memref<1024x1024xf32, #tpu.memory_space<hbm>> -> memref<16x1024xf32, #tpu.memory_space<hbm>>
    %dma_start3A_9 = arith.constant 0 : i32
    %dma_start3A_10 = arith.constant 0 : i32
    %dma_start3A_11 = tpu.memref_slice %arg5[%dma_start3A_9, %dma_start3A_10] : memref<32x1024xf32, #tpu.memory_space<vmem>> -> memref<16x1024xf32, #tpu.memory_space<vmem>>
    %dma_start3A_12 = arith.constant 0 : i32
    %dma_start3A_13 = tpu.memref_slice %arg2[%add3A_4, %dma_start3A_12] : memref<1024x1024xf32, #tpu.memory_space<hbm>> -> memref<16x1024xf32, #tpu.memory_space<hbm>>
    tpu.enqueue_dma source(%dma_start3A_13 : memref<16x1024xf32, #tpu.memory_space<hbm>>) target(%dma_start3A_11 : memref<16x1024xf32, #tpu.memory_space<vmem>>) target_semaphore(%arg9 : memref<!tpu.dma_semaphore, #tpu.memory_space<semaphore_mem>>)
    %add3A_14 = arith.constant 0 : i32
    %add3A_15 = arith.addi %mul3A_2, %add3A_14 : i32
    %dma_start3A_16 = arith.constant 0 : i32
    %dma_start3A_17 = arith.constant 0 : i32
    %dma_start3A_18 = tpu.memref_slice %arg6[%dma_start3A_16, %dma_start3A_17] : memref<32x1024xf32, #tpu.memory_space<vmem>> -> memref<16x1024xf32, #tpu.memory_space<vmem>>
    %dma_start3A_19 = arith.constant 0 : i32
    %dma_start3A_20 = tpu.memref_slice %arg3[%add3A_15, %dma_start3A_19] : memref<1024x1024xf32, #tpu.memory_space<hbm>> -> memref<16x1024xf32, #tpu.memory_space<hbm>>
    %dma_start3A_21 = arith.constant 0 : i32
    %dma_start3A_22 = arith.constant 0 : i32
    %dma_start3A_23 = tpu.memref_slice %arg6[%dma_start3A_21, %dma_start3A_22] : memref<32x1024xf32, #tpu.memory_space<vmem>> -> memref<16x1024xf32, #tpu.memory_space<vmem>>
    %dma_start3A_24 = arith.constant 0 : i32
    %dma_start3A_25 = tpu.memref_slice %arg3[%add3A_15, %dma_start3A_24] : memref<1024x1024xf32, #tpu.memory_space<hbm>> -> memref<16x1024xf32, #tpu.memory_space<hbm>>
    tpu.enqueue_dma source(%dma_start3A_25 : memref<16x1024xf32, #tpu.memory_space<hbm>>) target(%dma_start3A_23 : memref<16x1024xf32, #tpu.memory_space<vmem>>) target_semaphore(%arg9 : memref<!tpu.dma_semaphore, #tpu.memory_space<semaphore_mem>>)
    %add3A_26 = arith.constant 16 : i32
    %add3A_27 = arith.addi %mul3A_2, %add3A_26 : i32
    %dma_start3A_28 = arith.constant 16 : i32
    %dma_start3A_29 = arith.constant 0 : i32
    %dma_start3A_30 = tpu.memref_slice %arg5[%dma_start3A_28, %dma_start3A_29] : memref<32x1024xf32, #tpu.memory_space<vmem>> -> memref<16x1024xf32, #tpu.memory_space<vmem>>
    %dma_start3A_31 = arith.constant 0 : i32
    %dma_start3A_32 = tpu.memref_slice %arg2[%add3A_27, %dma_start3A_31] : memref<1024x1024xf32, #tpu.memory_space<hbm>> -> memref<16x1024xf32, #tpu.memory_space<hbm>>
    %dma_start3A_33 = arith.constant 16 : i32
    %dma_start3A_34 = arith.constant 0 : i32
    %dma_start3A_35 = tpu.memref_slice %arg5[%dma_start3A_33, %dma_start3A_34] : memref<32x1024xf32, #tpu.memory_space<vmem>> -> memref<16x1024xf32, #tpu.memory_space<vmem>>
    %dma_start3A_36 = arith.constant 0 : i32
    %dma_start3A_37 = tpu.memref_slice %arg2[%add3A_27, %dma_start3A_36] : memref<1024x1024xf32, #tpu.memory_space<hbm>> -> memref<16x1024xf32, #tpu.memory_space<hbm>>
    tpu.enqueue_dma source(%dma_start3A_37 : memref<16x1024xf32, #tpu.memory_space<hbm>>) target(%dma_start3A_35 : memref<16x1024xf32, #tpu.memory_space<vmem>>) target_semaphore(%arg10 : memref<!tpu.dma_semaphore, #tpu.memory_space<semaphore_mem>>)
    %add3A_38 = arith.constant 16 : i32
    %add3A_39 = arith.addi %mul3A_2, %add3A_38 : i32
    %dma_start3A_40 = arith.constant 16 : i32
    %dma_start3A_41 = arith.constant 0 : i32
    %dma_start3A_42 = tpu.memref_slice %arg6[%dma_start3A_40, %dma_start3A_41] : memref<32x1024xf32, #tpu.memory_space<vmem>> -> memref<16x1024xf32, #tpu.memory_space<vmem>>
    %dma_start3A_43 = arith.constant 0 : i32
    %dma_start3A_44 = tpu.memref_slice %arg3[%add3A_39, %dma_start3A_43] : memref<1024x1024xf32, #tpu.memory_space<hbm>> -> memref<16x1024xf32, #tpu.memory_space<hbm>>
    %dma_start3A_45 = arith.constant 16 : i32
    %dma_start3A_46 = arith.constant 0 : i32
    %dma_start3A_47 = tpu.memref_slice %arg6[%dma_start3A_45, %dma_start3A_46] : memref<32x1024xf32, #tpu.memory_space<vmem>> -> memref<16x1024xf32, #tpu.memory_space<vmem>>
    %dma_start3A_48 = arith.constant 0 : i32
    %dma_start3A_49 = tpu.memref_slice %arg3[%add3A_39, %dma_start3A_48] : memref<1024x1024xf32, #tpu.memory_space<hbm>> -> memref<16x1024xf32, #tpu.memory_space<hbm>>
    tpu.enqueue_dma source(%dma_start3A_49 : memref<16x1024xf32, #tpu.memory_space<hbm>>) target(%dma_start3A_47 : memref<16x1024xf32, #tpu.memory_space<vmem>>) target_semaphore(%arg10 : memref<!tpu.dma_semaphore, #tpu.memory_space<semaphore_mem>>)
    %broadcast_in_dim3A = arith.constant 0.000000e+00 : f32
    %broadcast_in_dim3A_50 = vector.broadcast %broadcast_in_dim3A : f32 to vector<16xf32>
    %swap3A = arith.constant 0 : index
    %swap3A_51 = tpu.vector_load %arg7[%swap3A] {strides = array<i32>} : memref<1024xf32, #tpu.memory_space<vmem>>, vector<16xf32>,
    tpu.vector_store %arg7[%swap3A], %broadcast_in_dim3A_50 {strides = array<i32>} : memref<1024xf32, #tpu.memory_space<vmem>>, vector<16xf32>,
    %swap3A_52 = arith.constant 16 : index
    %swap3A_53 = tpu.vector_load %arg7[%swap3A_52] {strides = array<i32>} : memref<1024xf32, #tpu.memory_space<vmem>>, vector<16xf32>,
    tpu.vector_store %arg7[%swap3A_52], %broadcast_in_dim3A_50 {strides = array<i32>} : memref<1024xf32, #tpu.memory_space<vmem>>, vector<16xf32>,
    %swap3A_54 = arith.constant 32 : index
    %swap3A_55 = tpu.vector_load %arg7[%swap3A_54] {strides = array<i32>} : memref<1024xf32, #tpu.memory_space<vmem>>, vector<16xf32>,
    tpu.vector_store %arg7[%swap3A_54], %broadcast_in_dim3A_50 {strides = array<i32>} : memref<1024xf32, #tpu.memory_space<vmem>>, vector<16xf32>,
    %swap3A_56 = arith.constant 48 : index
    %swap3A_57 = tpu.vector_load %arg7[%swap3A_56] {strides = array<i32>} : memref<1024xf32, #tpu.memory_space<vmem>>, vector<16xf32>,
    tpu.vector_store %arg7[%swap3A_56], %broadcast_in_dim3A_50 {strides = array<i32>} : memref<1024xf32, #tpu.memory_space<vmem>>, vector<16xf32>,
    %swap3A_58 = arith.constant 64 : index
    %swap3A_59 = tpu.vector_load %arg7[%swap3A_58] {strides = array<i32>} : memref<1024xf32, #tpu.memory_space<vmem>>, vector<16xf32>,
    tpu.vector_store %arg7[%swap3A_58], %broadcast_in_dim3A_50 {strides = array<i32>} : memref<1024xf32, #tpu.memory_space<vmem>>, vector<16xf32>,
    %swap3A_60 = arith.constant 80 : index
    %swap3A_61 = tpu.vector_load %arg7[%swap3A_60] {strides = array<i32>} : memref<1024xf32, #tpu.memory_space<vmem>>, vector<16xf32>,
    tpu.vector_store %arg7[%swap3A_60], %broadcast_in_dim3A_50 {strides = array<i32>} : memref<1024xf32, #tpu.memory_space<vmem>>, vector<16xf32>,
    %swap3A_62 = arith.constant 96 : index
    %swap3A_63 = tpu.vector_load %arg7[%swap3A_62] {strides = array<i32>} : memref<1024xf32, #tpu.memory_space<vmem>>, vector<16xf32>,
    tpu.vector_store %arg7[%swap3A_62], %broadcast_in_dim3A_50 {strides = array<i32>} : memref<1024xf32, #tpu.memory_space<vmem>>, vector<16xf32>,
    %swap3A_64 = arith.constant 112 : index
    %swap3A_65 = tpu.vector_load %arg7[%swap3A_64] {strides = array<i32>} : memref<1024xf32, #tpu.memory_space<vmem>>, vector<16xf32>,
    tpu.vector_store %arg7[%swap3A_64], %broadcast_in_dim3A_50 {strides = array<i32>} : memref<1024xf32, #tpu.memory_space<vmem>>, vector<16xf32>,
    %swap3A_66 = arith.constant 128 : index
    %swap3A_67 = tpu.vector_load %arg7[%swap3A_66] {strides = array<i32>} : memref<1024xf32, #tpu.memory_space<vmem>>, vector<16xf32>,
    tpu.vector_store %arg7[%swap3A_66], %broadcast_in_dim3A_50 {strides = array<i32>} : memref<1024xf32, #tpu.memory_space<vmem>>, vector<16xf32>,
    %swap3A_68 = arith.constant 144 : index
    %swap3A_69 = tpu.vector_load %arg7[%swap3A_68] {strides = array<i32>} : memref<1024xf32, #tpu.memory_space<vmem>>, vector<16xf32>,
    tpu.vector_store %arg7[%swap3A_68], %broadcast_in_dim3A_50 {strides = array<i32>} : memref<1024xf32, #tpu.memory_space<vmem>>, vector<16xf32>,
    %swap3A_70 = arith.constant 160 : index
    %swap3A_71 = tpu.vector_load %arg7[%swap3A_70] {strides = array<i32>} : memref<1024xf32, #tpu.memory_space<vmem>>, vector<16xf32>,
    tpu.vector_store %arg7[%swap3A_70], %broadcast_in_dim3A_50 {strides = array<i32>} : memref<1024xf32, #tpu.memory_space<vmem>>, vector<16xf32>,
    %swap3A_72 = arith.constant 176 : index
    %swap3A_73 = tpu.vector_load %arg7[%swap3A_72] {strides = array<i32>} : memref<1024xf32, #tpu.memory_space<vmem>>, vector<16xf32>,
    tpu.vector_store %arg7[%swap3A_72], %broadcast_in_dim3A_50 {strides = array<i32>} : memref<1024xf32, #tpu.memory_space<vmem>>, vector<16xf32>,
    %swap3A_74 = arith.constant 192 : index
    %swap3A_75 = tpu.vector_load %arg7[%swap3A_74] {strides = array<i32>} : memref<1024xf32, #tpu.memory_space<vmem>>, vector<16xf32>,
    tpu.vector_store %arg7[%swap3A_74], %broadcast_in_dim3A_50 {strides = array<i32>} : memref<1024xf32, #tpu.memory_space<vmem>>, vector<16xf32>,
    %swap3A_76 = arith.constant 208 : index
    %swap3A_77 = tpu.vector_load %arg7[%swap3A_76] {strides = array<i32>} : memref<1024xf32, #tpu.memory_space<vmem>>, vector<16xf32>,
    tpu.vector_store %arg7[%swap3A_76], %broadcast_in_dim3A_50 {strides = array<i32>} : memref<1024xf32, #tpu.memory_space<vmem>>, vector<16xf32>,
    %swap3A_78 = arith.constant 224 : index
    %swap3A_79 = tpu.vector_load %arg7[%swap3A_78] {strides = array<i32>} : memref<1024xf32, #tpu.memory_space<vmem>>, vector<16xf32>,
    tpu.vector_store %arg7[%swap3A_78], %broadcast_in_dim3A_50 {strides = array<i32>} : memref<1024xf32, #tpu.memory_space<vmem>>, vector<16xf32>,
    %swap3A_80 = arith.constant 240 : index
    %swap3A_81 = tpu.vector_load %arg7[%swap3A_80] {strides = array<i32>} : memref<1024xf32, #tpu.memory_space<vmem>>, vector<16xf32>,
    tpu.vector_store %arg7[%swap3A_80], %broadcast_in_dim3A_50 {strides = array<i32>} : memref<1024xf32, #tpu.memory_space<vmem>>, vector<16xf32>,
    %swap3A_82 = arith.constant 256 : index
    %swap3A_83 = tpu.vector_load %arg7[%swap3A_82] {strides = array<i32>} : memref<1024xf32, #tpu.memory_space<vmem>>, vector<16xf32>,
    tpu.vector_store %arg7[%swap3A_82], %broadcast_in_dim3A_50 {strides = array<i32>} : memref<1024xf32, #tpu.memory_space<vmem>>, vector<16xf32>,
    %swap3A_84 = arith.constant 272 : index
    %swap3A_85 = tpu.vector_load %arg7[%swap3A_84] {strides = array<i32>} : memref<1024xf32, #tpu.memory_space<vmem>>, vector<16xf32>,
    tpu.vector_store %arg7[%swap3A_84], %broadcast_in_dim3A_50 {strides = array<i32>} : memref<1024xf32, #tpu.memory_space<vmem>>, vector<16xf32>,
    %swap3A_86 = arith.constant 288 : index
    %swap3A_87 = tpu.vector_load %arg7[%swap3A_86] {strides = array<i32>} : memref<1024xf32, #tpu.memory_space<vmem>>, vector<16xf32>,
    tpu.vector_store %arg7[%swap3A_86], %broadcast_in_dim3A_50 {strides = array<i32>} : memref<1024xf32, #tpu.memory_space<vmem>>, vector<16xf32>,
    %swap3A_88 = arith.constant 304 : index
    %swap3A_89 = tpu.vector_load %arg7[%swap3A_88] {strides = array<i32>} : memref<1024xf32, #tpu.memory_space<vmem>>, vector<16xf32>,
    tpu.vector_store %arg7[%swap3A_88], %broadcast_in_dim3A_50 {strides = array<i32>} : memref<1024xf32, #tpu.memory_space<vmem>>, vector<16xf32>,
    %swap3A_90 = arith.constant 320 : index
    %swap3A_91 = tpu.vector_load %arg7[%swap3A_90] {strides = array<i32>} : memref<1024xf32, #tpu.memory_space<vmem>>, vector<16xf32>,
    tpu.vector_store %arg7[%swap3A_90], %broadcast_in_dim3A_50 {strides = array<i32>} : memref<1024xf32, #tpu.memory_space<vmem>>, vector<16xf32>,
    %swap3A_92 = arith.constant 336 : index
    %swap3A_93 = tpu.vector_load %arg7[%swap3A_92] {strides = array<i32>} : memref<1024xf32, #tpu.memory_space<vmem>>, vector<16xf32>,
    tpu.vector_store %arg7[%swap3A_92], %broadcast_in_dim3A_50 {strides = array<i32>} : memref<1024xf32, #tpu.memory_space<vmem>>, vector<16xf32>,
    %swap3A_94 = arith.constant 352 : index
    %swap3A_95 = tpu.vector_load %arg7[%swap3A_94] {strides = array<i32>} : memref<1024xf32, #tpu.memory_space<vmem>>, vector<16xf32>,
    tpu.vector_store %arg7[%swap3A_94], %broadcast_in_dim3A_50 {strides = array<i32>} : memref<1024xf32, #tpu.memory_space<vmem>>, vector<16xf32>,
    %swap3A_96 = arith.constant 368 : index
    %swap3A_97 = tpu.vector_load %arg7[%swap3A_96] {strides = array<i32>} : memref<1024xf32, #tpu.memory_space<vmem>>, vector<16xf32>,
    tpu.vector_store %arg7[%swap3A_96], %broadcast_in_dim3A_50 {strides = array<i32>} : memref<1024xf32, #tpu.memory_space<vmem>>, vector<16xf32>,
    %swap3A_98 = arith.constant 384 : index
    %swap3A_99 = tpu.vector_load %arg7[%swap3A_98] {strides = array<i32>} : memref<1024xf32, #tpu.memory_space<vmem>>, vector<16xf32>,
    tpu.vector_store %arg7[%swap3A_98], %broadcast_in_dim3A_50 {strides = array<i32>} : memref<1024xf32, #tpu.memory_space<vmem>>, vector<16xf32>,
    %swap3A_100 = arith.constant 400 : index
    %swap3A_101 = tpu.vector_load %arg7[%swap3A_100] {strides = array<i32>} : memref<1024xf32, #tpu.memory_space<vmem>>, vector<16xf32>,
    tpu.vector_store %arg7[%swap3A_100], %broadcast_in_dim3A_50 {strides = array<i32>} : memref<1024xf32, #tpu.memory_space<vmem>>, vector<16xf32>,
    %swap3A_102 = arith.constant 416 : index
    %swap3A_103 = tpu.vector_load %arg7[%swap3A_102] {strides = array<i32>} : memref<1024xf32, #tpu.memory_space<vmem>>, vector<16xf32>,
    tpu.vector_store %arg7[%swap3A_102], %broadcast_in_dim3A_50 {strides = array<i32>} : memref<1024xf32, #tpu.memory_space<vmem>>, vector<16xf32>,
    %swap3A_104 = arith.constant 432 : index
    %swap3A_105 = tpu.vector_load %arg7[%swap3A_104] {strides = array<i32>} : memref<1024xf32, #tpu.memory_space<vmem>>, vector<16xf32>,
    tpu.vector_store %arg7[%swap3A_104], %broadcast_in_dim3A_50 {strides = array<i32>} : memref<1024xf32, #tpu.memory_space<vmem>>, vector<16xf32>,
    %swap3A_106 = arith.constant 448 : index
    %swap3A_107 = tpu.vector_load %arg7[%swap3A_106] {strides = array<i32>} : memref<1024xf32, #tpu.memory_space<vmem>>, vector<16xf32>,
    tpu.vector_store %arg7[%swap3A_106], %broadcast_in_dim3A_50 {strides = array<i32>} : memref<1024xf32, #tpu.memory_space<vmem>>, vector<16xf32>,
    %swap3A_108 = arith.constant 464 : index
    %swap3A_109 = tpu.vector_load %arg7[%swap3A_108] {strides = array<i32>} : memref<1024xf32, #tpu.memory_space<vmem>>, vector<16xf32>,
    tpu.vector_store %arg7[%swap3A_108], %broadcast_in_dim3A_50 {strides = array<i32>} : memref<1024xf32, #tpu.memory_space<vmem>>, vector<16xf32>,
    %swap3A_110 = arith.constant 480 : index
    %swap3A_111 = tpu.vector_load %arg7[%swap3A_110] {strides = array<i32>} : memref<1024xf32, #tpu.memory_space<vmem>>, vector<16xf32>,
    tpu.vector_store %arg7[%swap3A_110], %broadcast_in_dim3A_50 {strides = array<i32>} : memref<1024xf32, #tpu.memory_space<vmem>>, vector<16xf32>,
    %swap3A_112 = arith.constant 496 : index
    %swap3A_113 = tpu.vector_load %arg7[%swap3A_112] {strides = array<i32>} : memref<1024xf32, #tpu.memory_space<vmem>>, vector<16xf32>,
    tpu.vector_store %arg7[%swap3A_112], %broadcast_in_dim3A_50 {strides = array<i32>} : memref<1024xf32, #tpu.memory_space<vmem>>, vector<16xf32>,
    %swap3A_114 = arith.constant 512 : index
    %swap3A_115 = tpu.vector_load %arg7[%swap3A_114] {strides = array<i32>} : memref<1024xf32, #tpu.memory_space<vmem>>, vector<16xf32>,
    tpu.vector_store %arg7[%swap3A_114], %broadcast_in_dim3A_50 {strides = array<i32>} : memref<1024xf32, #tpu.memory_space<vmem>>, vector<16xf32>,
    %swap3A_116 = arith.constant 528 : index
    %swap3A_117 = tpu.vector_load %arg7[%swap3A_116] {strides = array<i32>} : memref<1024xf32, #tpu.memory_space<vmem>>, vector<16xf32>,
    tpu.vector_store %arg7[%swap3A_116], %broadcast_in_dim3A_50 {strides = array<i32>} : memref<1024xf32, #tpu.memory_space<vmem>>, vector<16xf32>,
    %swap3A_118 = arith.constant 544 : index
    %swap3A_119 = tpu.vector_load %arg7[%swap3A_118] {strides = array<i32>} : memref<1024xf32, #tpu.memory_space<vmem>>, vector<16xf32>,
    tpu.vector_store %arg7[%swap3A_118], %broadcast_in_dim3A_50 {strides = array<i32>} : memref<1024xf32, #tpu.memory_space<vmem>>, vector<16xf32>,
    %swap3A_120 = arith.constant 560 : index
    %swap3A_121 = tpu.vector_load %arg7[%swap3A_120] {strides = array<i32>} : memref<1024xf32, #tpu.memory_space<vmem>>, vector<16xf32>,
    tpu.vector_store %arg7[%swap3A_120], %broadcast_in_dim3A_50 {strides = array<i32>} : memref<1024xf32, #tpu.memory_space<vmem>>, vector<16xf32>,
    %swap3A_122 = arith.constant 576 : index
    %swap3A_123 = tpu.vector_load %arg7[%swap3A_122] {strides = array<i32>} : memref<1024xf32, #tpu.memory_space<vmem>>, vector<16xf32>,
    tpu.vector_store %arg7[%swap3A_122], %broadcast_in_dim3A_50 {strides = array<i32>} : memref<1024xf32, #tpu.memory_space<vmem>>, vector<16xf32>,
    %swap3A_124 = arith.constant 592 : index
    %swap3A_125 = tpu.vector_load %arg7[%swap3A_124] {strides = array<i32>} : memref<1024xf32, #tpu.memory_space<vmem>>, vector<16xf32>,
    tpu.vector_store %arg7[%swap3A_124], %broadcast_in_dim3A_50 {strides = array<i32>} : memref<1024xf32, #tpu.memory_space<vmem>>, vector<16xf32>,
    %swap3A_126 = arith.constant 608 : index
    %swap3A_127 = tpu.vector_load %arg7[%swap3A_126] {strides = array<i32>} : memref<1024xf32, #tpu.memory_space<vmem>>, vector<16xf32>,
    tpu.vector_store %arg7[%swap3A_126], %broadcast_in_dim3A_50 {strides = array<i32>} : memref<1024xf32, #tpu.memory_space<vmem>>, vector<16xf32>,
    %swap3A_128 = arith.constant 624 : index
    %swap3A_129 = tpu.vector_load %arg7[%swap3A_128] {strides = array<i32>} : memref<1024xf32, #tpu.memory_space<vmem>>, vector<16xf32>,
    tpu.vector_store %arg7[%swap3A_128], %broadcast_in_dim3A_50 {strides = array<i32>} : memref<1024xf32, #tpu.memory_space<vmem>>, vector<16xf32>,
    %swap3A_130 = arith.constant 640 : index
    %swap3A_131 = tpu.vector_load %arg7[%swap3A_130] {strides = array<i32>} : memref<1024xf32, #tpu.memory_space<vmem>>, vector<16xf32>,
    tpu.vector_store %arg7[%swap3A_130], %broadcast_in_dim3A_50 {strides = array<i32>} : memref<1024xf32, #tpu.memory_space<vmem>>, vector<16xf32>,
    %swap3A_132 = arith.constant 656 : index
    %swap3A_133 = tpu.vector_load %arg7[%swap3A_132] {strides = array<i32>} : memref<1024xf32, #tpu.memory_space<vmem>>, vector<16xf32>,
    tpu.vector_store %arg7[%swap3A_132], %broadcast_in_dim3A_50 {strides = array<i32>} : memref<1024xf32, #tpu.memory_space<vmem>>, vector<16xf32>,
    %swap3A_134 = arith.constant 672 : index
    %swap3A_135 = tpu.vector_load %arg7[%swap3A_134] {strides = array<i32>} : memref<1024xf32, #tpu.memory_space<vmem>>, vector<16xf32>,
    tpu.vector_store %arg7[%swap3A_134], %broadcast_in_dim3A_50 {strides = array<i32>} : memref<1024xf32, #tpu.memory_space<vmem>>, vector<16xf32>,
    %swap3A_136 = arith.constant 688 : index
    %swap3A_137 = tpu.vector_load %arg7[%swap3A_136] {strides = array<i32>} : memref<1024xf32, #tpu.memory_space<vmem>>, vector<16xf32>,
    tpu.vector_store %arg7[%swap3A_136], %broadcast_in_dim3A_50 {strides = array<i32>} : memref<1024xf32, #tpu.memory_space<vmem>>, vector<16xf32>,
    %swap3A_138 = arith.constant 704 : index
    %swap3A_139 = tpu.vector_load %arg7[%swap3A_138] {strides = array<i32>} : memref<1024xf32, #tpu.memory_space<vmem>>, vector<16xf32>,
    tpu.vector_store %arg7[%swap3A_138], %broadcast_in_dim3A_50 {strides = array<i32>} : memref<1024xf32, #tpu.memory_space<vmem>>, vector<16xf32>,
    %swap3A_140 = arith.constant 720 : index
    %swap3A_141 = tpu.vector_load %arg7[%swap3A_140] {strides = array<i32>} : memref<1024xf32, #tpu.memory_space<vmem>>, vector<16xf32>,
    tpu.vector_store %arg7[%swap3A_140], %broadcast_in_dim3A_50 {strides = array<i32>} : memref<1024xf32, #tpu.memory_space<vmem>>, vector<16xf32>,
    %swap3A_142 = arith.constant 736 : index
    %swap3A_143 = tpu.vector_load %arg7[%swap3A_142] {strides = array<i32>} : memref<1024xf32, #tpu.memory_space<vmem>>, vector<16xf32>,
    tpu.vector_store %arg7[%swap3A_142], %broadcast_in_dim3A_50 {strides = array<i32>} : memref<1024xf32, #tpu.memory_space<vmem>>, vector<16xf32>,
    %swap3A_144 = arith.constant 752 : index
    %swap3A_145 = tpu.vector_load %arg7[%swap3A_144] {strides = array<i32>} : memref<1024xf32, #tpu.memory_space<vmem>>, vector<16xf32>,
    tpu.vector_store %arg7[%swap3A_144], %broadcast_in_dim3A_50 {strides = array<i32>} : memref<1024xf32, #tpu.memory_space<vmem>>, vector<16xf32>,
    %swap3A_146 = arith.constant 768 : index
    %swap3A_147 = tpu.vector_load %arg7[%swap3A_146] {strides = array<i32>} : memref<1024xf32, #tpu.memory_space<vmem>>, vector<16xf32>,
    tpu.vector_store %arg7[%swap3A_146], %broadcast_in_dim3A_50 {strides = array<i32>} : memref<1024xf32, #tpu.memory_space<vmem>>, vector<16xf32>,
    %swap3A_148 = arith.constant 784 : index
    %swap3A_149 = tpu.vector_load %arg7[%swap3A_148] {strides = array<i32>} : memref<1024xf32, #tpu.memory_space<vmem>>, vector<16xf32>,
    tpu.vector_store %arg7[%swap3A_148], %broadcast_in_dim3A_50 {strides = array<i32>} : memref<1024xf32, #tpu.memory_space<vmem>>, vector<16xf32>,
    %swap3A_150 = arith.constant 800 : index
    %swap3A_151 = tpu.vector_load %arg7[%swap3A_150] {strides = array<i32>} : memref<1024xf32, #tpu.memory_space<vmem>>, vector<16xf32>,
    tpu.vector_store %arg7[%swap3A_150], %broadcast_in_dim3A_50 {strides = array<i32>} : memref<1024xf32, #tpu.memory_space<vmem>>, vector<16xf32>,
    %swap3A_152 = arith.constant 816 : index
    %swap3A_153 = tpu.vector_load %arg7[%swap3A_152] {strides = array<i32>} : memref<1024xf32, #tpu.memory_space<vmem>>, vector<16xf32>,
    tpu.vector_store %arg7[%swap3A_152], %broadcast_in_dim3A_50 {strides = array<i32>} : memref<1024xf32, #tpu.memory_space<vmem>>, vector<16xf32>,
    %swap3A_154 = arith.constant 832 : index
    %swap3A_155 = tpu.vector_load %arg7[%swap3A_154] {strides = array<i32>} : memref<1024xf32, #tpu.memory_space<vmem>>, vector<16xf32>,
    tpu.vector_store %arg7[%swap3A_154], %broadcast_in_dim3A_50 {strides = array<i32>} : memref<1024xf32, #tpu.memory_space<vmem>>, vector<16xf32>,
    %swap3A_156 = arith.constant 848 : index
    %swap3A_157 = tpu.vector_load %arg7[%swap3A_156] {strides = array<i32>} : memref<1024xf32, #tpu.memory_space<vmem>>, vector<16xf32>,
    tpu.vector_store %arg7[%swap3A_156], %broadcast_in_dim3A_50 {strides = array<i32>} : memref<1024xf32, #tpu.memory_space<vmem>>, vector<16xf32>,
    %swap3A_158 = arith.constant 864 : index
    %swap3A_159 = tpu.vector_load %arg7[%swap3A_158] {strides = array<i32>} : memref<1024xf32, #tpu.memory_space<vmem>>, vector<16xf32>,
    tpu.vector_store %arg7[%swap3A_158], %broadcast_in_dim3A_50 {strides = array<i32>} : memref<1024xf32, #tpu.memory_space<vmem>>, vector<16xf32>,
    %swap3A_160 = arith.constant 880 : index
    %swap3A_161 = tpu.vector_load %arg7[%swap3A_160] {strides = array<i32>} : memref<1024xf32, #tpu.memory_space<vmem>>, vector<16xf32>,
    tpu.vector_store %arg7[%swap3A_160], %broadcast_in_dim3A_50 {strides = array<i32>} : memref<1024xf32, #tpu.memory_space<vmem>>, vector<16xf32>,
    %swap3A_162 = arith.constant 896 : index
    %swap3A_163 = tpu.vector_load %arg7[%swap3A_162] {strides = array<i32>} : memref<1024xf32, #tpu.memory_space<vmem>>, vector<16xf32>,
    tpu.vector_store %arg7[%swap3A_162], %broadcast_in_dim3A_50 {strides = array<i32>} : memref<1024xf32, #tpu.memory_space<vmem>>, vector<16xf32>,
    %swap3A_164 = arith.constant 912 : index
    %swap3A_165 = tpu.vector_load %arg7[%swap3A_164] {strides = array<i32>} : memref<1024xf32, #tpu.memory_space<vmem>>, vector<16xf32>,
    tpu.vector_store %arg7[%swap3A_164], %broadcast_in_dim3A_50 {strides = array<i32>} : memref<1024xf32, #tpu.memory_space<vmem>>, vector<16xf32>,
    %swap3A_166 = arith.constant 928 : index
    %swap3A_167 = tpu.vector_load %arg7[%swap3A_166] {strides = array<i32>} : memref<1024xf32, #tpu.memory_space<vmem>>, vector<16xf32>,
    tpu.vector_store %arg7[%swap3A_166], %broadcast_in_dim3A_50 {strides = array<i32>} : memref<1024xf32, #tpu.memory_space<vmem>>, vector<16xf32>,
    %swap3A_168 = arith.constant 944 : index
    %swap3A_169 = tpu.vector_load %arg7[%swap3A_168] {strides = array<i32>} : memref<1024xf32, #tpu.memory_space<vmem>>, vector<16xf32>,
    tpu.vector_store %arg7[%swap3A_168], %broadcast_in_dim3A_50 {strides = array<i32>} : memref<1024xf32, #tpu.memory_space<vmem>>, vector<16xf32>,
    %swap3A_170 = arith.constant 960 : index
    %swap3A_171 = tpu.vector_load %arg7[%swap3A_170] {strides = array<i32>} : memref<1024xf32, #tpu.memory_space<vmem>>, vector<16xf32>,
    tpu.vector_store %arg7[%swap3A_170], %broadcast_in_dim3A_50 {strides = array<i32>} : memref<1024xf32, #tpu.memory_space<vmem>>, vector<16xf32>,
    %swap3A_172 = arith.constant 976 : index
    %swap3A_173 = tpu.vector_load %arg7[%swap3A_172] {strides = array<i32>} : memref<1024xf32, #tpu.memory_space<vmem>>, vector<16xf32>,
    tpu.vector_store %arg7[%swap3A_172], %broadcast_in_dim3A_50 {strides = array<i32>} : memref<1024xf32, #tpu.memory_space<vmem>>, vector<16xf32>,
    %swap3A_174 = arith.constant 992 : index
    %swap3A_175 = tpu.vector_load %arg7[%swap3A_174] {strides = array<i32>} : memref<1024xf32, #tpu.memory_space<vmem>>, vector<16xf32>,
    tpu.vector_store %arg7[%swap3A_174], %broadcast_in_dim3A_50 {strides = array<i32>} : memref<1024xf32, #tpu.memory_space<vmem>>, vector<16xf32>,
    %swap3A_176 = arith.constant 1008 : index
    %swap3A_177 = tpu.vector_load %arg7[%swap3A_176] {strides = array<i32>} : memref<1024xf32, #tpu.memory_space<vmem>>, vector<16xf32>,
    tpu.vector_store %arg7[%swap3A_176], %broadcast_in_dim3A_50 {strides = array<i32>} : memref<1024xf32, #tpu.memory_space<vmem>>, vector<16xf32>,
    %broadcast_in_dim3A_178 = arith.constant 1.000000e+00 : f32
    %broadcast_in_dim3A_179 = vector.broadcast %broadcast_in_dim3A_178 : f32 to vector<16xf32>
    %iota3A = tpu.iota {dimensions = array<i32: 0>} : vector<16xi32>
    %and3A = arith.constant 3 : i32
    %and3A_180 = vector.broadcast %and3A : i32 to vector<16xi32>
    %and3A_181 = arith.andi %iota3A, %and3A_180 : vector<16xi32>
    %convert_element_type3A = arith.sitofp %and3A_181 : vector<16xi32> to vector<16xf32>
    %dma_wait3A = arith.constant 0 : i32
    %dma_wait3A_182 = arith.constant 0 : i32
    %dma_wait3A_183 = tpu.memref_slice %arg5[%dma_wait3A, %dma_wait3A_182] : memref<32x1024xf32, #tpu.memory_space<vmem>> -> memref<16x1024xf32, #tpu.memory_space<vmem>>
    %dma_wait3A_184 = arith.constant 0 : i32
    %dma_wait3A_185 = tpu.memref_slice %arg2[%add3A_4, %dma_wait3A_184] : memref<1024x1024xf32, #tpu.memory_space<hbm>> -> memref<16x1024xf32, #tpu.memory_space<hbm>>
    %dma_wait3A_186 = arith.constant 0 : i32
    %dma_wait3A_187 = arith.constant 0 : i32
    %dma_wait3A_188 = tpu.memref_slice %arg5[%dma_wait3A_186, %dma_wait3A_187] : memref<32x1024xf32, #tpu.memory_space<vmem>> -> memref<16x1024xf32, #tpu.memory_space<vmem>>
    %dma_wait3A_189 = arith.constant 0 : i32
    %dma_wait3A_190 = tpu.memref_slice %arg2[%add3A_4, %dma_wait3A_189] : memref<1024x1024xf32, #tpu.memory_space<hbm>> -> memref<16x1024xf32, #tpu.memory_space<hbm>>
    tpu.wait_dma2 semaphore(%arg9 : memref<!tpu.dma_semaphore, #tpu.memory_space<semaphore_mem>>) src(%dma_wait3A_190 : memref<16x1024xf32, #tpu.memory_space<hbm>>) dst(%dma_wait3A_188 : memref<16x1024xf32, #tpu.memory_space<vmem>>)
    %dma_wait3A_191 = arith.constant 0 : i32
    %dma_wait3A_192 = arith.constant 0 : i32
    %dma_wait3A_193 = tpu.memref_slice %arg6[%dma_wait3A_191, %dma_wait3A_192] : memref<32x1024xf32, #tpu.memory_space<vmem>> -> memref<16x1024xf32, #tpu.memory_space<vmem>>
    %dma_wait3A_194 = arith.constant 0 : i32
    %dma_wait3A_195 = tpu.memref_slice %arg3[%add3A_15, %dma_wait3A_194] : memref<1024x1024xf32, #tpu.memory_space<hbm>> -> memref<16x1024xf32, #tpu.memory_space<hbm>>
    %dma_wait3A_196 = arith.constant 0 : i32
    %dma_wait3A_197 = arith.constant 0 : i32
    %dma_wait3A_198 = tpu.memref_slice %arg6[%dma_wait3A_196, %dma_wait3A_197] : memref<32x1024xf32, #tpu.memory_space<vmem>> -> memref<16x1024xf32, #tpu.memory_space<vmem>>
    %dma_wait3A_199 = arith.constant 0 : i32
    %dma_wait3A_200 = tpu.memref_slice %arg3[%add3A_15, %dma_wait3A_199] : memref<1024x1024xf32, #tpu.memory_space<hbm>> -> memref<16x1024xf32, #tpu.memory_space<hbm>>
    tpu.wait_dma2 semaphore(%arg9 : memref<!tpu.dma_semaphore, #tpu.memory_space<semaphore_mem>>) src(%dma_wait3A_200 : memref<16x1024xf32, #tpu.memory_space<hbm>>) dst(%dma_wait3A_198 : memref<16x1024xf32, #tpu.memory_space<vmem>>)
    %parallel_loop3A = arith.constant 0 : i32
    %parallel_loop3A_201 = arith.constant 16384 : i32
    %parallel_loop3A_202 = arith.constant 16 : i32
    scf.for %parallel_loop3A_994 = %parallel_loop3A to %parallel_loop3A_201 step %parallel_loop3A_202  : i32 {
      %parallel_loop3A_995 = arith.constant 10 : i32
      %parallel_loop3A_996 = arith.shrsi %parallel_loop3A_994, %parallel_loop3A_995 : i32
      %parallel_loop3A_997 = arith.constant 1023 : i32
      %parallel_loop3A_998 = arith.andi %parallel_loop3A_994, %parallel_loop3A_997 : i32
      %parallel_loop3A_999 = arith.index_cast %parallel_loop3A_996 : i32 to index
      %parallel_loop3A_1000 = arith.index_cast %parallel_loop3A_998 : i32 to index
      %parallel_loop3A_1001 = tpu.vector_load %arg5[%parallel_loop3A_999, %parallel_loop3A_1000] {strides = array<i32>} : memref<32x1024xf32, #tpu.memory_space<vmem>>, vector<16xf32>,
      %parallel_loop3A_1002 = arith.index_cast %parallel_loop3A_996 : i32 to index
      %parallel_loop3A_1003 = arith.index_cast %parallel_loop3A_998 : i32 to index
      %parallel_loop3A_1004 = tpu.vector_load %arg6[%parallel_loop3A_1002, %parallel_loop3A_1003] {strides = array<i32>} : memref<32x1024xf32, #tpu.memory_space<vmem>>, vector<16xf32>,
      %parallel_loop3A_1005 = arith.constant 1.600000e+01 : f32
      %parallel_loop3A_1006 = vector.broadcast %parallel_loop3A_1005 : f32 to vector<16xf32>
      %parallel_loop3A_1007 = arith.mulf %parallel_loop3A_1001, %parallel_loop3A_1006 : vector<16xf32>
      %parallel_loop3A_1008 = arith.addf %parallel_loop3A_1007, %parallel_loop3A_1004 : vector<16xf32>
      %parallel_loop3A_1009 = arith.constant 4.000000e+00 : f32
      %parallel_loop3A_1010 = vector.broadcast %parallel_loop3A_1009 : f32 to vector<16xf32>
      %parallel_loop3A_1011 = arith.mulf %parallel_loop3A_1008, %parallel_loop3A_1010 : vector<16xf32>
      %parallel_loop3A_1012 = arith.addf %parallel_loop3A_1011, %convert_element_type3A : vector<16xf32>
      %parallel_loop3A_1013 = arith.fptosi %parallel_loop3A_1012 : vector<16xf32> to vector<16xi32>
      tpu.vector_store_idx %arg7[%parallel_loop3A_1013], %broadcast_in_dim3A_179 {add = true} : memref<1024xf32, #tpu.memory_space<vmem>>[vector<16xi32>], vector<16xf32>,
    } {sc.loop_unroll_factor = 16 : i64, sc.parallel_access}
    %dma_wait3A_203 = arith.constant 16 : i32
    %dma_wait3A_204 = arith.constant 0 : i32
    %dma_wait3A_205 = tpu.memref_slice %arg5[%dma_wait3A_203, %dma_wait3A_204] : memref<32x1024xf32, #tpu.memory_space<vmem>> -> memref<16x1024xf32, #tpu.memory_space<vmem>>
    %dma_wait3A_206 = arith.constant 0 : i32
    %dma_wait3A_207 = tpu.memref_slice %arg2[%add3A_27, %dma_wait3A_206] : memref<1024x1024xf32, #tpu.memory_space<hbm>> -> memref<16x1024xf32, #tpu.memory_space<hbm>>
    %dma_wait3A_208 = arith.constant 16 : i32
    %dma_wait3A_209 = arith.constant 0 : i32
    %dma_wait3A_210 = tpu.memref_slice %arg5[%dma_wait3A_208, %dma_wait3A_209] : memref<32x1024xf32, #tpu.memory_space<vmem>> -> memref<16x1024xf32, #tpu.memory_space<vmem>>
    %dma_wait3A_211 = arith.constant 0 : i32
    %dma_wait3A_212 = tpu.memref_slice %arg2[%add3A_27, %dma_wait3A_211] : memref<1024x1024xf32, #tpu.memory_space<hbm>> -> memref<16x1024xf32, #tpu.memory_space<hbm>>
    tpu.wait_dma2 semaphore(%arg10 : memref<!tpu.dma_semaphore, #tpu.memory_space<semaphore_mem>>) src(%dma_wait3A_212 : memref<16x1024xf32, #tpu.memory_space<hbm>>) dst(%dma_wait3A_210 : memref<16x1024xf32, #tpu.memory_space<vmem>>)
    %dma_wait3A_213 = arith.constant 16 : i32
    %dma_wait3A_214 = arith.constant 0 : i32
    %dma_wait3A_215 = tpu.memref_slice %arg6[%dma_wait3A_213, %dma_wait3A_214] : memref<32x1024xf32, #tpu.memory_space<vmem>> -> memref<16x1024xf32, #tpu.memory_space<vmem>>
    %dma_wait3A_216 = arith.constant 0 : i32
    %dma_wait3A_217 = tpu.memref_slice %arg3[%add3A_39, %dma_wait3A_216] : memref<1024x1024xf32, #tpu.memory_space<hbm>> -> memref<16x1024xf32, #tpu.memory_space<hbm>>
    %dma_wait3A_218 = arith.constant 16 : i32
    %dma_wait3A_219 = arith.constant 0 : i32
    %dma_wait3A_220 = tpu.memref_slice %arg6[%dma_wait3A_218, %dma_wait3A_219] : memref<32x1024xf32, #tpu.memory_space<vmem>> -> memref<16x1024xf32, #tpu.memory_space<vmem>>
    %dma_wait3A_221 = arith.constant 0 : i32
    %dma_wait3A_222 = tpu.memref_slice %arg3[%add3A_39, %dma_wait3A_221] : memref<1024x1024xf32, #tpu.memory_space<hbm>> -> memref<16x1024xf32, #tpu.memory_space<hbm>>
    tpu.wait_dma2 semaphore(%arg10 : memref<!tpu.dma_semaphore, #tpu.memory_space<semaphore_mem>>) src(%dma_wait3A_222 : memref<16x1024xf32, #tpu.memory_space<hbm>>) dst(%dma_wait3A_220 : memref<16x1024xf32, #tpu.memory_space<vmem>>)
    %parallel_loop3A_223 = arith.constant 16384 : i32
    %parallel_loop3A_224 = arith.constant 32768 : i32
    %parallel_loop3A_225 = arith.constant 16 : i32
    scf.for %parallel_loop3A_994 = %parallel_loop3A_223 to %parallel_loop3A_224 step %parallel_loop3A_225  : i32 {
      %parallel_loop3A_995 = arith.constant 10 : i32
      %parallel_loop3A_996 = arith.shrsi %parallel_loop3A_994, %parallel_loop3A_995 : i32
      %parallel_loop3A_997 = arith.constant 1023 : i32
      %parallel_loop3A_998 = arith.andi %parallel_loop3A_994, %parallel_loop3A_997 : i32
      %parallel_loop3A_999 = arith.index_cast %parallel_loop3A_996 : i32 to index
      %parallel_loop3A_1000 = arith.index_cast %parallel_loop3A_998 : i32 to index
      %parallel_loop3A_1001 = tpu.vector_load %arg5[%parallel_loop3A_999, %parallel_loop3A_1000] {strides = array<i32>} : memref<32x1024xf32, #tpu.memory_space<vmem>>, vector<16xf32>,
      %parallel_loop3A_1002 = arith.index_cast %parallel_loop3A_996 : i32 to index
      %parallel_loop3A_1003 = arith.index_cast %parallel_loop3A_998 : i32 to index
      %parallel_loop3A_1004 = tpu.vector_load %arg6[%parallel_loop3A_1002, %parallel_loop3A_1003] {strides = array<i32>} : memref<32x1024xf32, #tpu.memory_space<vmem>>, vector<16xf32>,
      %parallel_loop3A_1005 = arith.constant 1.600000e+01 : f32
      %parallel_loop3A_1006 = vector.broadcast %parallel_loop3A_1005 : f32 to vector<16xf32>
      %parallel_loop3A_1007 = arith.mulf %parallel_loop3A_1001, %parallel_loop3A_1006 : vector<16xf32>
      %parallel_loop3A_1008 = arith.addf %parallel_loop3A_1007, %parallel_loop3A_1004 : vector<16xf32>
      %parallel_loop3A_1009 = arith.constant 4.000000e+00 : f32
      %parallel_loop3A_1010 = vector.broadcast %parallel_loop3A_1009 : f32 to vector<16xf32>
      %parallel_loop3A_1011 = arith.mulf %parallel_loop3A_1008, %parallel_loop3A_1010 : vector<16xf32>
      %parallel_loop3A_1012 = arith.addf %parallel_loop3A_1011, %convert_element_type3A : vector<16xf32>
      %parallel_loop3A_1013 = arith.fptosi %parallel_loop3A_1012 : vector<16xf32> to vector<16xi32>
      tpu.vector_store_idx %arg7[%parallel_loop3A_1013], %broadcast_in_dim3A_179 {add = true} : memref<1024xf32, #tpu.memory_space<vmem>>[vector<16xi32>], vector<16xf32>,
    } {sc.loop_unroll_factor = 16 : i64, sc.parallel_access}
    %iota3A_226 = tpu.iota {dimensions = array<i32: 0>} : vector<16xi32>
    %add3A_227 = arith.constant 0 : i32
    %add3A_228 = vector.broadcast %add3A_227 : i32 to vector<16xi32>
    %add3A_229 = arith.addi %add3A_228, %iota3A_226 : vector<16xi32>
    %mul3A_230 = arith.constant 4 : i32
    %mul3A_231 = vector.broadcast %mul3A_230 : i32 to vector<16xi32>
    %mul3A_232 = arith.muli %add3A_229, %mul3A_231 : vector<16xi32>
    %add3A_233 = arith.constant 0 : i32
    %add3A_234 = vector.broadcast %add3A_233 : i32 to vector<16xi32>
    %add3A_235 = arith.addi %mul3A_232, %add3A_234 : vector<16xi32>
    %gather3A = tpu.vector_load_idx %arg7[%add3A_235] : memref<1024xf32, #tpu.memory_space<vmem>>[vector<16xi32>], vector<16xf32>,
    %add3A_236 = arith.addf %broadcast_in_dim3A_50, %gather3A : vector<16xf32>
    %add3A_237 = arith.constant 0 : i32
    %add3A_238 = vector.broadcast %add3A_237 : i32 to vector<16xi32>
    %add3A_239 = arith.addi %add3A_238, %iota3A_226 : vector<16xi32>
    %mul3A_240 = arith.constant 4 : i32
    %mul3A_241 = vector.broadcast %mul3A_240 : i32 to vector<16xi32>
    %mul3A_242 = arith.muli %add3A_239, %mul3A_241 : vector<16xi32>
    %add3A_243 = arith.constant 1 : i32
    %add3A_244 = vector.broadcast %add3A_243 : i32 to vector<16xi32>
    %add3A_245 = arith.addi %mul3A_242, %add3A_244 : vector<16xi32>
    %gather3A_246 = tpu.vector_load_idx %arg7[%add3A_245] : memref<1024xf32, #tpu.memory_space<vmem>>[vector<16xi32>], vector<16xf32>,
    %add3A_247 = arith.addf %add3A_236, %gather3A_246 : vector<16xf32>
    %add3A_248 = arith.constant 0 : i32
    %add3A_249 = vector.broadcast %add3A_248 : i32 to vector<16xi32>
    %add3A_250 = arith.addi %add3A_249, %iota3A_226 : vector<16xi32>
    %mul3A_251 = arith.constant 4 : i32
    %mul3A_252 = vector.broadcast %mul3A_251 : i32 to vector<16xi32>
    %mul3A_253 = arith.muli %add3A_250, %mul3A_252 : vector<16xi32>
    %add3A_254 = arith.constant 2 : i32
    %add3A_255 = vector.broadcast %add3A_254 : i32 to vector<16xi32>
    %add3A_256 = arith.addi %mul3A_253, %add3A_255 : vector<16xi32>
    %gather3A_257 = tpu.vector_load_idx %arg7[%add3A_256] : memref<1024xf32, #tpu.memory_space<vmem>>[vector<16xi32>], vector<16xf32>,
    %add3A_258 = arith.addf %add3A_247, %gather3A_257 : vector<16xf32>
    %add3A_259 = arith.constant 0 : i32
    %add3A_260 = vector.broadcast %add3A_259 : i32 to vector<16xi32>
    %add3A_261 = arith.addi %add3A_260, %iota3A_226 : vector<16xi32>
    %mul3A_262 = arith.constant 4 : i32
    %mul3A_263 = vector.broadcast %mul3A_262 : i32 to vector<16xi32>
    %mul3A_264 = arith.muli %add3A_261, %mul3A_263 : vector<16xi32>
    %add3A_265 = arith.constant 3 : i32
    %add3A_266 = vector.broadcast %add3A_265 : i32 to vector<16xi32>
    %add3A_267 = arith.addi %mul3A_264, %add3A_266 : vector<16xi32>
    %gather3A_268 = tpu.vector_load_idx %arg7[%add3A_267] : memref<1024xf32, #tpu.memory_space<vmem>>[vector<16xi32>], vector<16xf32>,
    %add3A_269 = arith.addf %add3A_258, %gather3A_268 : vector<16xf32>
    %swap3A_270 = arith.constant 0 : i32
    %swap3A_271 = arith.index_cast %swap3A_270 : i32 to index
    %swap3A_272 = arith.constant 0 : index
    %swap3A_273 = tpu.vector_load %arg8[%swap3A_271, %swap3A_272] {strides = array<i32>} : memref<16x16xf32, #tpu.memory_space<vmem>>, vector<16xf32>,
    tpu.vector_store %arg8[%swap3A_271, %swap3A_272], %add3A_269 {strides = array<i32>} : memref<16x16xf32, #tpu.memory_space<vmem>>, vector<16xf32>,
    %add3A_274 = arith.constant 16 : i32
    %add3A_275 = vector.broadcast %add3A_274 : i32 to vector<16xi32>
    %add3A_276 = arith.addi %add3A_275, %iota3A_226 : vector<16xi32>
    %mul3A_277 = arith.constant 4 : i32
    %mul3A_278 = vector.broadcast %mul3A_277 : i32 to vector<16xi32>
    %mul3A_279 = arith.muli %add3A_276, %mul3A_278 : vector<16xi32>
    %add3A_280 = arith.constant 0 : i32
    %add3A_281 = vector.broadcast %add3A_280 : i32 to vector<16xi32>
    %add3A_282 = arith.addi %mul3A_279, %add3A_281 : vector<16xi32>
    %gather3A_283 = tpu.vector_load_idx %arg7[%add3A_282] : memref<1024xf32, #tpu.memory_space<vmem>>[vector<16xi32>], vector<16xf32>,
    %add3A_284 = arith.addf %broadcast_in_dim3A_50, %gather3A_283 : vector<16xf32>
    %add3A_285 = arith.constant 16 : i32
    %add3A_286 = vector.broadcast %add3A_285 : i32 to vector<16xi32>
    %add3A_287 = arith.addi %add3A_286, %iota3A_226 : vector<16xi32>
    %mul3A_288 = arith.constant 4 : i32
    %mul3A_289 = vector.broadcast %mul3A_288 : i32 to vector<16xi32>
    %mul3A_290 = arith.muli %add3A_287, %mul3A_289 : vector<16xi32>
    %add3A_291 = arith.constant 1 : i32
    %add3A_292 = vector.broadcast %add3A_291 : i32 to vector<16xi32>
    %add3A_293 = arith.addi %mul3A_290, %add3A_292 : vector<16xi32>
    %gather3A_294 = tpu.vector_load_idx %arg7[%add3A_293] : memref<1024xf32, #tpu.memory_space<vmem>>[vector<16xi32>], vector<16xf32>,
    %add3A_295 = arith.addf %add3A_284, %gather3A_294 : vector<16xf32>
    %add3A_296 = arith.constant 16 : i32
    %add3A_297 = vector.broadcast %add3A_296 : i32 to vector<16xi32>
    %add3A_298 = arith.addi %add3A_297, %iota3A_226 : vector<16xi32>
    %mul3A_299 = arith.constant 4 : i32
    %mul3A_300 = vector.broadcast %mul3A_299 : i32 to vector<16xi32>
    %mul3A_301 = arith.muli %add3A_298, %mul3A_300 : vector<16xi32>
    %add3A_302 = arith.constant 2 : i32
    %add3A_303 = vector.broadcast %add3A_302 : i32 to vector<16xi32>
    %add3A_304 = arith.addi %mul3A_301, %add3A_303 : vector<16xi32>
    %gather3A_305 = tpu.vector_load_idx %arg7[%add3A_304] : memref<1024xf32, #tpu.memory_space<vmem>>[vector<16xi32>], vector<16xf32>,
    %add3A_306 = arith.addf %add3A_295, %gather3A_305 : vector<16xf32>
    %add3A_307 = arith.constant 16 : i32
    %add3A_308 = vector.broadcast %add3A_307 : i32 to vector<16xi32>
    %add3A_309 = arith.addi %add3A_308, %iota3A_226 : vector<16xi32>
    %mul3A_310 = arith.constant 4 : i32
    %mul3A_311 = vector.broadcast %mul3A_310 : i32 to vector<16xi32>
    %mul3A_312 = arith.muli %add3A_309, %mul3A_311 : vector<16xi32>
    %add3A_313 = arith.constant 3 : i32
    %add3A_314 = vector.broadcast %add3A_313 : i32 to vector<16xi32>
    %add3A_315 = arith.addi %mul3A_312, %add3A_314 : vector<16xi32>
    %gather3A_316 = tpu.vector_load_idx %arg7[%add3A_315] : memref<1024xf32, #tpu.memory_space<vmem>>[vector<16xi32>], vector<16xf32>,
    %add3A_317 = arith.addf %add3A_306, %gather3A_316 : vector<16xf32>
    %swap3A_318 = arith.constant 1 : i32
    %swap3A_319 = arith.index_cast %swap3A_318 : i32 to index
    %swap3A_320 = arith.constant 0 : index
    %swap3A_321 = tpu.vector_load %arg8[%swap3A_319, %swap3A_320] {strides = array<i32>} : memref<16x16xf32, #tpu.memory_space<vmem>>, vector<16xf32>,
    tpu.vector_store %arg8[%swap3A_319, %swap3A_320], %add3A_317 {strides = array<i32>} : memref<16x16xf32, #tpu.memory_space<vmem>>, vector<16xf32>,
    %add3A_322 = arith.constant 32 : i32
    %add3A_323 = vector.broadcast %add3A_322 : i32 to vector<16xi32>
    %add3A_324 = arith.addi %add3A_323, %iota3A_226 : vector<16xi32>
    %mul3A_325 = arith.constant 4 : i32
    %mul3A_326 = vector.broadcast %mul3A_325 : i32 to vector<16xi32>
    %mul3A_327 = arith.muli %add3A_324, %mul3A_326 : vector<16xi32>
    %add3A_328 = arith.constant 0 : i32
    %add3A_329 = vector.broadcast %add3A_328 : i32 to vector<16xi32>
    %add3A_330 = arith.addi %mul3A_327, %add3A_329 : vector<16xi32>
    %gather3A_331 = tpu.vector_load_idx %arg7[%add3A_330] : memref<1024xf32, #tpu.memory_space<vmem>>[vector<16xi32>], vector<16xf32>,
    %add3A_332 = arith.addf %broadcast_in_dim3A_50, %gather3A_331 : vector<16xf32>
    %add3A_333 = arith.constant 32 : i32
    %add3A_334 = vector.broadcast %add3A_333 : i32 to vector<16xi32>
    %add3A_335 = arith.addi %add3A_334, %iota3A_226 : vector<16xi32>
    %mul3A_336 = arith.constant 4 : i32
    %mul3A_337 = vector.broadcast %mul3A_336 : i32 to vector<16xi32>
    %mul3A_338 = arith.muli %add3A_335, %mul3A_337 : vector<16xi32>
    %add3A_339 = arith.constant 1 : i32
    %add3A_340 = vector.broadcast %add3A_339 : i32 to vector<16xi32>
    %add3A_341 = arith.addi %mul3A_338, %add3A_340 : vector<16xi32>
    %gather3A_342 = tpu.vector_load_idx %arg7[%add3A_341] : memref<1024xf32, #tpu.memory_space<vmem>>[vector<16xi32>], vector<16xf32>,
    %add3A_343 = arith.addf %add3A_332, %gather3A_342 : vector<16xf32>
    %add3A_344 = arith.constant 32 : i32
    %add3A_345 = vector.broadcast %add3A_344 : i32 to vector<16xi32>
    %add3A_346 = arith.addi %add3A_345, %iota3A_226 : vector<16xi32>
    %mul3A_347 = arith.constant 4 : i32
    %mul3A_348 = vector.broadcast %mul3A_347 : i32 to vector<16xi32>
    %mul3A_349 = arith.muli %add3A_346, %mul3A_348 : vector<16xi32>
    %add3A_350 = arith.constant 2 : i32
    %add3A_351 = vector.broadcast %add3A_350 : i32 to vector<16xi32>
    %add3A_352 = arith.addi %mul3A_349, %add3A_351 : vector<16xi32>
    %gather3A_353 = tpu.vector_load_idx %arg7[%add3A_352] : memref<1024xf32, #tpu.memory_space<vmem>>[vector<16xi32>], vector<16xf32>,
    %add3A_354 = arith.addf %add3A_343, %gather3A_353 : vector<16xf32>
    %add3A_355 = arith.constant 32 : i32
    %add3A_356 = vector.broadcast %add3A_355 : i32 to vector<16xi32>
    %add3A_357 = arith.addi %add3A_356, %iota3A_226 : vector<16xi32>
    %mul3A_358 = arith.constant 4 : i32
    %mul3A_359 = vector.broadcast %mul3A_358 : i32 to vector<16xi32>
    %mul3A_360 = arith.muli %add3A_357, %mul3A_359 : vector<16xi32>
    %add3A_361 = arith.constant 3 : i32
    %add3A_362 = vector.broadcast %add3A_361 : i32 to vector<16xi32>
    %add3A_363 = arith.addi %mul3A_360, %add3A_362 : vector<16xi32>
    %gather3A_364 = tpu.vector_load_idx %arg7[%add3A_363] : memref<1024xf32, #tpu.memory_space<vmem>>[vector<16xi32>], vector<16xf32>,
    %add3A_365 = arith.addf %add3A_354, %gather3A_364 : vector<16xf32>
    %swap3A_366 = arith.constant 2 : i32
    %swap3A_367 = arith.index_cast %swap3A_366 : i32 to index
    %swap3A_368 = arith.constant 0 : index
    %swap3A_369 = tpu.vector_load %arg8[%swap3A_367, %swap3A_368] {strides = array<i32>} : memref<16x16xf32, #tpu.memory_space<vmem>>, vector<16xf32>,
    tpu.vector_store %arg8[%swap3A_367, %swap3A_368], %add3A_365 {strides = array<i32>} : memref<16x16xf32, #tpu.memory_space<vmem>>, vector<16xf32>,
    %add3A_370 = arith.constant 48 : i32
    %add3A_371 = vector.broadcast %add3A_370 : i32 to vector<16xi32>
    %add3A_372 = arith.addi %add3A_371, %iota3A_226 : vector<16xi32>
    %mul3A_373 = arith.constant 4 : i32
    %mul3A_374 = vector.broadcast %mul3A_373 : i32 to vector<16xi32>
    %mul3A_375 = arith.muli %add3A_372, %mul3A_374 : vector<16xi32>
    %add3A_376 = arith.constant 0 : i32
    %add3A_377 = vector.broadcast %add3A_376 : i32 to vector<16xi32>
    %add3A_378 = arith.addi %mul3A_375, %add3A_377 : vector<16xi32>
    %gather3A_379 = tpu.vector_load_idx %arg7[%add3A_378] : memref<1024xf32, #tpu.memory_space<vmem>>[vector<16xi32>], vector<16xf32>,
    %add3A_380 = arith.addf %broadcast_in_dim3A_50, %gather3A_379 : vector<16xf32>
    %add3A_381 = arith.constant 48 : i32
    %add3A_382 = vector.broadcast %add3A_381 : i32 to vector<16xi32>
    %add3A_383 = arith.addi %add3A_382, %iota3A_226 : vector<16xi32>
    %mul3A_384 = arith.constant 4 : i32
    %mul3A_385 = vector.broadcast %mul3A_384 : i32 to vector<16xi32>
    %mul3A_386 = arith.muli %add3A_383, %mul3A_385 : vector<16xi32>
    %add3A_387 = arith.constant 1 : i32
    %add3A_388 = vector.broadcast %add3A_387 : i32 to vector<16xi32>
    %add3A_389 = arith.addi %mul3A_386, %add3A_388 : vector<16xi32>
    %gather3A_390 = tpu.vector_load_idx %arg7[%add3A_389] : memref<1024xf32, #tpu.memory_space<vmem>>[vector<16xi32>], vector<16xf32>,
    %add3A_391 = arith.addf %add3A_380, %gather3A_390 : vector<16xf32>
    %add3A_392 = arith.constant 48 : i32
    %add3A_393 = vector.broadcast %add3A_392 : i32 to vector<16xi32>
    %add3A_394 = arith.addi %add3A_393, %iota3A_226 : vector<16xi32>
    %mul3A_395 = arith.constant 4 : i32
    %mul3A_396 = vector.broadcast %mul3A_395 : i32 to vector<16xi32>
    %mul3A_397 = arith.muli %add3A_394, %mul3A_396 : vector<16xi32>
    %add3A_398 = arith.constant 2 : i32
    %add3A_399 = vector.broadcast %add3A_398 : i32 to vector<16xi32>
    %add3A_400 = arith.addi %mul3A_397, %add3A_399 : vector<16xi32>
    %gather3A_401 = tpu.vector_load_idx %arg7[%add3A_400] : memref<1024xf32, #tpu.memory_space<vmem>>[vector<16xi32>], vector<16xf32>,
    %add3A_402 = arith.addf %add3A_391, %gather3A_401 : vector<16xf32>
    %add3A_403 = arith.constant 48 : i32
    %add3A_404 = vector.broadcast %add3A_403 : i32 to vector<16xi32>
    %add3A_405 = arith.addi %add3A_404, %iota3A_226 : vector<16xi32>
    %mul3A_406 = arith.constant 4 : i32
    %mul3A_407 = vector.broadcast %mul3A_406 : i32 to vector<16xi32>
    %mul3A_408 = arith.muli %add3A_405, %mul3A_407 : vector<16xi32>
    %add3A_409 = arith.constant 3 : i32
    %add3A_410 = vector.broadcast %add3A_409 : i32 to vector<16xi32>
    %add3A_411 = arith.addi %mul3A_408, %add3A_410 : vector<16xi32>
    %gather3A_412 = tpu.vector_load_idx %arg7[%add3A_411] : memref<1024xf32, #tpu.memory_space<vmem>>[vector<16xi32>], vector<16xf32>,
    %add3A_413 = arith.addf %add3A_402, %gather3A_412 : vector<16xf32>
    %swap3A_414 = arith.constant 3 : i32
    %swap3A_415 = arith.index_cast %swap3A_414 : i32 to index
    %swap3A_416 = arith.constant 0 : index
    %swap3A_417 = tpu.vector_load %arg8[%swap3A_415, %swap3A_416] {strides = array<i32>} : memref<16x16xf32, #tpu.memory_space<vmem>>, vector<16xf32>,
    tpu.vector_store %arg8[%swap3A_415, %swap3A_416], %add3A_413 {strides = array<i32>} : memref<16x16xf32, #tpu.memory_space<vmem>>, vector<16xf32>,
    %add3A_418 = arith.constant 64 : i32
    %add3A_419 = vector.broadcast %add3A_418 : i32 to vector<16xi32>
    %add3A_420 = arith.addi %add3A_419, %iota3A_226 : vector<16xi32>
    %mul3A_421 = arith.constant 4 : i32
    %mul3A_422 = vector.broadcast %mul3A_421 : i32 to vector<16xi32>
    %mul3A_423 = arith.muli %add3A_420, %mul3A_422 : vector<16xi32>
    %add3A_424 = arith.constant 0 : i32
    %add3A_425 = vector.broadcast %add3A_424 : i32 to vector<16xi32>
    %add3A_426 = arith.addi %mul3A_423, %add3A_425 : vector<16xi32>
    %gather3A_427 = tpu.vector_load_idx %arg7[%add3A_426] : memref<1024xf32, #tpu.memory_space<vmem>>[vector<16xi32>], vector<16xf32>,
    %add3A_428 = arith.addf %broadcast_in_dim3A_50, %gather3A_427 : vector<16xf32>
    %add3A_429 = arith.constant 64 : i32
    %add3A_430 = vector.broadcast %add3A_429 : i32 to vector<16xi32>
    %add3A_431 = arith.addi %add3A_430, %iota3A_226 : vector<16xi32>
    %mul3A_432 = arith.constant 4 : i32
    %mul3A_433 = vector.broadcast %mul3A_432 : i32 to vector<16xi32>
    %mul3A_434 = arith.muli %add3A_431, %mul3A_433 : vector<16xi32>
    %add3A_435 = arith.constant 1 : i32
    %add3A_436 = vector.broadcast %add3A_435 : i32 to vector<16xi32>
    %add3A_437 = arith.addi %mul3A_434, %add3A_436 : vector<16xi32>
    %gather3A_438 = tpu.vector_load_idx %arg7[%add3A_437] : memref<1024xf32, #tpu.memory_space<vmem>>[vector<16xi32>], vector<16xf32>,
    %add3A_439 = arith.addf %add3A_428, %gather3A_438 : vector<16xf32>
    %add3A_440 = arith.constant 64 : i32
    %add3A_441 = vector.broadcast %add3A_440 : i32 to vector<16xi32>
    %add3A_442 = arith.addi %add3A_441, %iota3A_226 : vector<16xi32>
    %mul3A_443 = arith.constant 4 : i32
    %mul3A_444 = vector.broadcast %mul3A_443 : i32 to vector<16xi32>
    %mul3A_445 = arith.muli %add3A_442, %mul3A_444 : vector<16xi32>
    %add3A_446 = arith.constant 2 : i32
    %add3A_447 = vector.broadcast %add3A_446 : i32 to vector<16xi32>
    %add3A_448 = arith.addi %mul3A_445, %add3A_447 : vector<16xi32>
    %gather3A_449 = tpu.vector_load_idx %arg7[%add3A_448] : memref<1024xf32, #tpu.memory_space<vmem>>[vector<16xi32>], vector<16xf32>,
    %add3A_450 = arith.addf %add3A_439, %gather3A_449 : vector<16xf32>
    %add3A_451 = arith.constant 64 : i32
    %add3A_452 = vector.broadcast %add3A_451 : i32 to vector<16xi32>
    %add3A_453 = arith.addi %add3A_452, %iota3A_226 : vector<16xi32>
    %mul3A_454 = arith.constant 4 : i32
    %mul3A_455 = vector.broadcast %mul3A_454 : i32 to vector<16xi32>
    %mul3A_456 = arith.muli %add3A_453, %mul3A_455 : vector<16xi32>
    %add3A_457 = arith.constant 3 : i32
    %add3A_458 = vector.broadcast %add3A_457 : i32 to vector<16xi32>
    %add3A_459 = arith.addi %mul3A_456, %add3A_458 : vector<16xi32>
    %gather3A_460 = tpu.vector_load_idx %arg7[%add3A_459] : memref<1024xf32, #tpu.memory_space<vmem>>[vector<16xi32>], vector<16xf32>,
    %add3A_461 = arith.addf %add3A_450, %gather3A_460 : vector<16xf32>
    %swap3A_462 = arith.constant 4 : i32
    %swap3A_463 = arith.index_cast %swap3A_462 : i32 to index
    %swap3A_464 = arith.constant 0 : index
    %swap3A_465 = tpu.vector_load %arg8[%swap3A_463, %swap3A_464] {strides = array<i32>} : memref<16x16xf32, #tpu.memory_space<vmem>>, vector<16xf32>,
    tpu.vector_store %arg8[%swap3A_463, %swap3A_464], %add3A_461 {strides = array<i32>} : memref<16x16xf32, #tpu.memory_space<vmem>>, vector<16xf32>,
    %add3A_466 = arith.constant 80 : i32
    %add3A_467 = vector.broadcast %add3A_466 : i32 to vector<16xi32>
    %add3A_468 = arith.addi %add3A_467, %iota3A_226 : vector<16xi32>
    %mul3A_469 = arith.constant 4 : i32
    %mul3A_470 = vector.broadcast %mul3A_469 : i32 to vector<16xi32>
    %mul3A_471 = arith.muli %add3A_468, %mul3A_470 : vector<16xi32>
    %add3A_472 = arith.constant 0 : i32
    %add3A_473 = vector.broadcast %add3A_472 : i32 to vector<16xi32>
    %add3A_474 = arith.addi %mul3A_471, %add3A_473 : vector<16xi32>
    %gather3A_475 = tpu.vector_load_idx %arg7[%add3A_474] : memref<1024xf32, #tpu.memory_space<vmem>>[vector<16xi32>], vector<16xf32>,
    %add3A_476 = arith.addf %broadcast_in_dim3A_50, %gather3A_475 : vector<16xf32>
    %add3A_477 = arith.constant 80 : i32
    %add3A_478 = vector.broadcast %add3A_477 : i32 to vector<16xi32>
    %add3A_479 = arith.addi %add3A_478, %iota3A_226 : vector<16xi32>
    %mul3A_480 = arith.constant 4 : i32
    %mul3A_481 = vector.broadcast %mul3A_480 : i32 to vector<16xi32>
    %mul3A_482 = arith.muli %add3A_479, %mul3A_481 : vector<16xi32>
    %add3A_483 = arith.constant 1 : i32
    %add3A_484 = vector.broadcast %add3A_483 : i32 to vector<16xi32>
    %add3A_485 = arith.addi %mul3A_482, %add3A_484 : vector<16xi32>
    %gather3A_486 = tpu.vector_load_idx %arg7[%add3A_485] : memref<1024xf32, #tpu.memory_space<vmem>>[vector<16xi32>], vector<16xf32>,
    %add3A_487 = arith.addf %add3A_476, %gather3A_486 : vector<16xf32>
    %add3A_488 = arith.constant 80 : i32
    %add3A_489 = vector.broadcast %add3A_488 : i32 to vector<16xi32>
    %add3A_490 = arith.addi %add3A_489, %iota3A_226 : vector<16xi32>
    %mul3A_491 = arith.constant 4 : i32
    %mul3A_492 = vector.broadcast %mul3A_491 : i32 to vector<16xi32>
    %mul3A_493 = arith.muli %add3A_490, %mul3A_492 : vector<16xi32>
    %add3A_494 = arith.constant 2 : i32
    %add3A_495 = vector.broadcast %add3A_494 : i32 to vector<16xi32>
    %add3A_496 = arith.addi %mul3A_493, %add3A_495 : vector<16xi32>
    %gather3A_497 = tpu.vector_load_idx %arg7[%add3A_496] : memref<1024xf32, #tpu.memory_space<vmem>>[vector<16xi32>], vector<16xf32>,
    %add3A_498 = arith.addf %add3A_487, %gather3A_497 : vector<16xf32>
    %add3A_499 = arith.constant 80 : i32
    %add3A_500 = vector.broadcast %add3A_499 : i32 to vector<16xi32>
    %add3A_501 = arith.addi %add3A_500, %iota3A_226 : vector<16xi32>
    %mul3A_502 = arith.constant 4 : i32
    %mul3A_503 = vector.broadcast %mul3A_502 : i32 to vector<16xi32>
    %mul3A_504 = arith.muli %add3A_501, %mul3A_503 : vector<16xi32>
    %add3A_505 = arith.constant 3 : i32
    %add3A_506 = vector.broadcast %add3A_505 : i32 to vector<16xi32>
    %add3A_507 = arith.addi %mul3A_504, %add3A_506 : vector<16xi32>
    %gather3A_508 = tpu.vector_load_idx %arg7[%add3A_507] : memref<1024xf32, #tpu.memory_space<vmem>>[vector<16xi32>], vector<16xf32>,
    %add3A_509 = arith.addf %add3A_498, %gather3A_508 : vector<16xf32>
    %swap3A_510 = arith.constant 5 : i32
    %swap3A_511 = arith.index_cast %swap3A_510 : i32 to index
    %swap3A_512 = arith.constant 0 : index
    %swap3A_513 = tpu.vector_load %arg8[%swap3A_511, %swap3A_512] {strides = array<i32>} : memref<16x16xf32, #tpu.memory_space<vmem>>, vector<16xf32>,
    tpu.vector_store %arg8[%swap3A_511, %swap3A_512], %add3A_509 {strides = array<i32>} : memref<16x16xf32, #tpu.memory_space<vmem>>, vector<16xf32>,
    %add3A_514 = arith.constant 96 : i32
    %add3A_515 = vector.broadcast %add3A_514 : i32 to vector<16xi32>
    %add3A_516 = arith.addi %add3A_515, %iota3A_226 : vector<16xi32>
    %mul3A_517 = arith.constant 4 : i32
    %mul3A_518 = vector.broadcast %mul3A_517 : i32 to vector<16xi32>
    %mul3A_519 = arith.muli %add3A_516, %mul3A_518 : vector<16xi32>
    %add3A_520 = arith.constant 0 : i32
    %add3A_521 = vector.broadcast %add3A_520 : i32 to vector<16xi32>
    %add3A_522 = arith.addi %mul3A_519, %add3A_521 : vector<16xi32>
    %gather3A_523 = tpu.vector_load_idx %arg7[%add3A_522] : memref<1024xf32, #tpu.memory_space<vmem>>[vector<16xi32>], vector<16xf32>,
    %add3A_524 = arith.addf %broadcast_in_dim3A_50, %gather3A_523 : vector<16xf32>
    %add3A_525 = arith.constant 96 : i32
    %add3A_526 = vector.broadcast %add3A_525 : i32 to vector<16xi32>
    %add3A_527 = arith.addi %add3A_526, %iota3A_226 : vector<16xi32>
    %mul3A_528 = arith.constant 4 : i32
    %mul3A_529 = vector.broadcast %mul3A_528 : i32 to vector<16xi32>
    %mul3A_530 = arith.muli %add3A_527, %mul3A_529 : vector<16xi32>
    %add3A_531 = arith.constant 1 : i32
    %add3A_532 = vector.broadcast %add3A_531 : i32 to vector<16xi32>
    %add3A_533 = arith.addi %mul3A_530, %add3A_532 : vector<16xi32>
    %gather3A_534 = tpu.vector_load_idx %arg7[%add3A_533] : memref<1024xf32, #tpu.memory_space<vmem>>[vector<16xi32>], vector<16xf32>,
    %add3A_535 = arith.addf %add3A_524, %gather3A_534 : vector<16xf32>
    %add3A_536 = arith.constant 96 : i32
    %add3A_537 = vector.broadcast %add3A_536 : i32 to vector<16xi32>
    %add3A_538 = arith.addi %add3A_537, %iota3A_226 : vector<16xi32>
    %mul3A_539 = arith.constant 4 : i32
    %mul3A_540 = vector.broadcast %mul3A_539 : i32 to vector<16xi32>
    %mul3A_541 = arith.muli %add3A_538, %mul3A_540 : vector<16xi32>
    %add3A_542 = arith.constant 2 : i32
    %add3A_543 = vector.broadcast %add3A_542 : i32 to vector<16xi32>
    %add3A_544 = arith.addi %mul3A_541, %add3A_543 : vector<16xi32>
    %gather3A_545 = tpu.vector_load_idx %arg7[%add3A_544] : memref<1024xf32, #tpu.memory_space<vmem>>[vector<16xi32>], vector<16xf32>,
    %add3A_546 = arith.addf %add3A_535, %gather3A_545 : vector<16xf32>
    %add3A_547 = arith.constant 96 : i32
    %add3A_548 = vector.broadcast %add3A_547 : i32 to vector<16xi32>
    %add3A_549 = arith.addi %add3A_548, %iota3A_226 : vector<16xi32>
    %mul3A_550 = arith.constant 4 : i32
    %mul3A_551 = vector.broadcast %mul3A_550 : i32 to vector<16xi32>
    %mul3A_552 = arith.muli %add3A_549, %mul3A_551 : vector<16xi32>
    %add3A_553 = arith.constant 3 : i32
    %add3A_554 = vector.broadcast %add3A_553 : i32 to vector<16xi32>
    %add3A_555 = arith.addi %mul3A_552, %add3A_554 : vector<16xi32>
    %gather3A_556 = tpu.vector_load_idx %arg7[%add3A_555] : memref<1024xf32, #tpu.memory_space<vmem>>[vector<16xi32>], vector<16xf32>,
    %add3A_557 = arith.addf %add3A_546, %gather3A_556 : vector<16xf32>
    %swap3A_558 = arith.constant 6 : i32
    %swap3A_559 = arith.index_cast %swap3A_558 : i32 to index
    %swap3A_560 = arith.constant 0 : index
    %swap3A_561 = tpu.vector_load %arg8[%swap3A_559, %swap3A_560] {strides = array<i32>} : memref<16x16xf32, #tpu.memory_space<vmem>>, vector<16xf32>,
    tpu.vector_store %arg8[%swap3A_559, %swap3A_560], %add3A_557 {strides = array<i32>} : memref<16x16xf32, #tpu.memory_space<vmem>>, vector<16xf32>,
    %add3A_562 = arith.constant 112 : i32
    %add3A_563 = vector.broadcast %add3A_562 : i32 to vector<16xi32>
    %add3A_564 = arith.addi %add3A_563, %iota3A_226 : vector<16xi32>
    %mul3A_565 = arith.constant 4 : i32
    %mul3A_566 = vector.broadcast %mul3A_565 : i32 to vector<16xi32>
    %mul3A_567 = arith.muli %add3A_564, %mul3A_566 : vector<16xi32>
    %add3A_568 = arith.constant 0 : i32
    %add3A_569 = vector.broadcast %add3A_568 : i32 to vector<16xi32>
    %add3A_570 = arith.addi %mul3A_567, %add3A_569 : vector<16xi32>
    %gather3A_571 = tpu.vector_load_idx %arg7[%add3A_570] : memref<1024xf32, #tpu.memory_space<vmem>>[vector<16xi32>], vector<16xf32>,
    %add3A_572 = arith.addf %broadcast_in_dim3A_50, %gather3A_571 : vector<16xf32>
    %add3A_573 = arith.constant 112 : i32
    %add3A_574 = vector.broadcast %add3A_573 : i32 to vector<16xi32>
    %add3A_575 = arith.addi %add3A_574, %iota3A_226 : vector<16xi32>
    %mul3A_576 = arith.constant 4 : i32
    %mul3A_577 = vector.broadcast %mul3A_576 : i32 to vector<16xi32>
    %mul3A_578 = arith.muli %add3A_575, %mul3A_577 : vector<16xi32>
    %add3A_579 = arith.constant 1 : i32
    %add3A_580 = vector.broadcast %add3A_579 : i32 to vector<16xi32>
    %add3A_581 = arith.addi %mul3A_578, %add3A_580 : vector<16xi32>
    %gather3A_582 = tpu.vector_load_idx %arg7[%add3A_581] : memref<1024xf32, #tpu.memory_space<vmem>>[vector<16xi32>], vector<16xf32>,
    %add3A_583 = arith.addf %add3A_572, %gather3A_582 : vector<16xf32>
    %add3A_584 = arith.constant 112 : i32
    %add3A_585 = vector.broadcast %add3A_584 : i32 to vector<16xi32>
    %add3A_586 = arith.addi %add3A_585, %iota3A_226 : vector<16xi32>
    %mul3A_587 = arith.constant 4 : i32
    %mul3A_588 = vector.broadcast %mul3A_587 : i32 to vector<16xi32>
    %mul3A_589 = arith.muli %add3A_586, %mul3A_588 : vector<16xi32>
    %add3A_590 = arith.constant 2 : i32
    %add3A_591 = vector.broadcast %add3A_590 : i32 to vector<16xi32>
    %add3A_592 = arith.addi %mul3A_589, %add3A_591 : vector<16xi32>
    %gather3A_593 = tpu.vector_load_idx %arg7[%add3A_592] : memref<1024xf32, #tpu.memory_space<vmem>>[vector<16xi32>], vector<16xf32>,
    %add3A_594 = arith.addf %add3A_583, %gather3A_593 : vector<16xf32>
    %add3A_595 = arith.constant 112 : i32
    %add3A_596 = vector.broadcast %add3A_595 : i32 to vector<16xi32>
    %add3A_597 = arith.addi %add3A_596, %iota3A_226 : vector<16xi32>
    %mul3A_598 = arith.constant 4 : i32
    %mul3A_599 = vector.broadcast %mul3A_598 : i32 to vector<16xi32>
    %mul3A_600 = arith.muli %add3A_597, %mul3A_599 : vector<16xi32>
    %add3A_601 = arith.constant 3 : i32
    %add3A_602 = vector.broadcast %add3A_601 : i32 to vector<16xi32>
    %add3A_603 = arith.addi %mul3A_600, %add3A_602 : vector<16xi32>
    %gather3A_604 = tpu.vector_load_idx %arg7[%add3A_603] : memref<1024xf32, #tpu.memory_space<vmem>>[vector<16xi32>], vector<16xf32>,
    %add3A_605 = arith.addf %add3A_594, %gather3A_604 : vector<16xf32>
    %swap3A_606 = arith.constant 7 : i32
    %swap3A_607 = arith.index_cast %swap3A_606 : i32 to index
    %swap3A_608 = arith.constant 0 : index
    %swap3A_609 = tpu.vector_load %arg8[%swap3A_607, %swap3A_608] {strides = array<i32>} : memref<16x16xf32, #tpu.memory_space<vmem>>, vector<16xf32>,
    tpu.vector_store %arg8[%swap3A_607, %swap3A_608], %add3A_605 {strides = array<i32>} : memref<16x16xf32, #tpu.memory_space<vmem>>, vector<16xf32>,
    %add3A_610 = arith.constant 128 : i32
    %add3A_611 = vector.broadcast %add3A_610 : i32 to vector<16xi32>
    %add3A_612 = arith.addi %add3A_611, %iota3A_226 : vector<16xi32>
    %mul3A_613 = arith.constant 4 : i32
    %mul3A_614 = vector.broadcast %mul3A_613 : i32 to vector<16xi32>
    %mul3A_615 = arith.muli %add3A_612, %mul3A_614 : vector<16xi32>
    %add3A_616 = arith.constant 0 : i32
    %add3A_617 = vector.broadcast %add3A_616 : i32 to vector<16xi32>
    %add3A_618 = arith.addi %mul3A_615, %add3A_617 : vector<16xi32>
    %gather3A_619 = tpu.vector_load_idx %arg7[%add3A_618] : memref<1024xf32, #tpu.memory_space<vmem>>[vector<16xi32>], vector<16xf32>,
    %add3A_620 = arith.addf %broadcast_in_dim3A_50, %gather3A_619 : vector<16xf32>
    %add3A_621 = arith.constant 128 : i32
    %add3A_622 = vector.broadcast %add3A_621 : i32 to vector<16xi32>
    %add3A_623 = arith.addi %add3A_622, %iota3A_226 : vector<16xi32>
    %mul3A_624 = arith.constant 4 : i32
    %mul3A_625 = vector.broadcast %mul3A_624 : i32 to vector<16xi32>
    %mul3A_626 = arith.muli %add3A_623, %mul3A_625 : vector<16xi32>
    %add3A_627 = arith.constant 1 : i32
    %add3A_628 = vector.broadcast %add3A_627 : i32 to vector<16xi32>
    %add3A_629 = arith.addi %mul3A_626, %add3A_628 : vector<16xi32>
    %gather3A_630 = tpu.vector_load_idx %arg7[%add3A_629] : memref<1024xf32, #tpu.memory_space<vmem>>[vector<16xi32>], vector<16xf32>,
    %add3A_631 = arith.addf %add3A_620, %gather3A_630 : vector<16xf32>
    %add3A_632 = arith.constant 128 : i32
    %add3A_633 = vector.broadcast %add3A_632 : i32 to vector<16xi32>
    %add3A_634 = arith.addi %add3A_633, %iota3A_226 : vector<16xi32>
    %mul3A_635 = arith.constant 4 : i32
    %mul3A_636 = vector.broadcast %mul3A_635 : i32 to vector<16xi32>
    %mul3A_637 = arith.muli %add3A_634, %mul3A_636 : vector<16xi32>
    %add3A_638 = arith.constant 2 : i32
    %add3A_639 = vector.broadcast %add3A_638 : i32 to vector<16xi32>
    %add3A_640 = arith.addi %mul3A_637, %add3A_639 : vector<16xi32>
    %gather3A_641 = tpu.vector_load_idx %arg7[%add3A_640] : memref<1024xf32, #tpu.memory_space<vmem>>[vector<16xi32>], vector<16xf32>,
    %add3A_642 = arith.addf %add3A_631, %gather3A_641 : vector<16xf32>
    %add3A_643 = arith.constant 128 : i32
    %add3A_644 = vector.broadcast %add3A_643 : i32 to vector<16xi32>
    %add3A_645 = arith.addi %add3A_644, %iota3A_226 : vector<16xi32>
    %mul3A_646 = arith.constant 4 : i32
    %mul3A_647 = vector.broadcast %mul3A_646 : i32 to vector<16xi32>
    %mul3A_648 = arith.muli %add3A_645, %mul3A_647 : vector<16xi32>
    %add3A_649 = arith.constant 3 : i32
    %add3A_650 = vector.broadcast %add3A_649 : i32 to vector<16xi32>
    %add3A_651 = arith.addi %mul3A_648, %add3A_650 : vector<16xi32>
    %gather3A_652 = tpu.vector_load_idx %arg7[%add3A_651] : memref<1024xf32, #tpu.memory_space<vmem>>[vector<16xi32>], vector<16xf32>,
    %add3A_653 = arith.addf %add3A_642, %gather3A_652 : vector<16xf32>
    %swap3A_654 = arith.constant 8 : i32
    %swap3A_655 = arith.index_cast %swap3A_654 : i32 to index
    %swap3A_656 = arith.constant 0 : index
    %swap3A_657 = tpu.vector_load %arg8[%swap3A_655, %swap3A_656] {strides = array<i32>} : memref<16x16xf32, #tpu.memory_space<vmem>>, vector<16xf32>,
    tpu.vector_store %arg8[%swap3A_655, %swap3A_656], %add3A_653 {strides = array<i32>} : memref<16x16xf32, #tpu.memory_space<vmem>>, vector<16xf32>,
    %add3A_658 = arith.constant 144 : i32
    %add3A_659 = vector.broadcast %add3A_658 : i32 to vector<16xi32>
    %add3A_660 = arith.addi %add3A_659, %iota3A_226 : vector<16xi32>
    %mul3A_661 = arith.constant 4 : i32
    %mul3A_662 = vector.broadcast %mul3A_661 : i32 to vector<16xi32>
    %mul3A_663 = arith.muli %add3A_660, %mul3A_662 : vector<16xi32>
    %add3A_664 = arith.constant 0 : i32
    %add3A_665 = vector.broadcast %add3A_664 : i32 to vector<16xi32>
    %add3A_666 = arith.addi %mul3A_663, %add3A_665 : vector<16xi32>
    %gather3A_667 = tpu.vector_load_idx %arg7[%add3A_666] : memref<1024xf32, #tpu.memory_space<vmem>>[vector<16xi32>], vector<16xf32>,
    %add3A_668 = arith.addf %broadcast_in_dim3A_50, %gather3A_667 : vector<16xf32>
    %add3A_669 = arith.constant 144 : i32
    %add3A_670 = vector.broadcast %add3A_669 : i32 to vector<16xi32>
    %add3A_671 = arith.addi %add3A_670, %iota3A_226 : vector<16xi32>
    %mul3A_672 = arith.constant 4 : i32
    %mul3A_673 = vector.broadcast %mul3A_672 : i32 to vector<16xi32>
    %mul3A_674 = arith.muli %add3A_671, %mul3A_673 : vector<16xi32>
    %add3A_675 = arith.constant 1 : i32
    %add3A_676 = vector.broadcast %add3A_675 : i32 to vector<16xi32>
    %add3A_677 = arith.addi %mul3A_674, %add3A_676 : vector<16xi32>
    %gather3A_678 = tpu.vector_load_idx %arg7[%add3A_677] : memref<1024xf32, #tpu.memory_space<vmem>>[vector<16xi32>], vector<16xf32>,
    %add3A_679 = arith.addf %add3A_668, %gather3A_678 : vector<16xf32>
    %add3A_680 = arith.constant 144 : i32
    %add3A_681 = vector.broadcast %add3A_680 : i32 to vector<16xi32>
    %add3A_682 = arith.addi %add3A_681, %iota3A_226 : vector<16xi32>
    %mul3A_683 = arith.constant 4 : i32
    %mul3A_684 = vector.broadcast %mul3A_683 : i32 to vector<16xi32>
    %mul3A_685 = arith.muli %add3A_682, %mul3A_684 : vector<16xi32>
    %add3A_686 = arith.constant 2 : i32
    %add3A_687 = vector.broadcast %add3A_686 : i32 to vector<16xi32>
    %add3A_688 = arith.addi %mul3A_685, %add3A_687 : vector<16xi32>
    %gather3A_689 = tpu.vector_load_idx %arg7[%add3A_688] : memref<1024xf32, #tpu.memory_space<vmem>>[vector<16xi32>], vector<16xf32>,
    %add3A_690 = arith.addf %add3A_679, %gather3A_689 : vector<16xf32>
    %add3A_691 = arith.constant 144 : i32
    %add3A_692 = vector.broadcast %add3A_691 : i32 to vector<16xi32>
    %add3A_693 = arith.addi %add3A_692, %iota3A_226 : vector<16xi32>
    %mul3A_694 = arith.constant 4 : i32
    %mul3A_695 = vector.broadcast %mul3A_694 : i32 to vector<16xi32>
    %mul3A_696 = arith.muli %add3A_693, %mul3A_695 : vector<16xi32>
    %add3A_697 = arith.constant 3 : i32
    %add3A_698 = vector.broadcast %add3A_697 : i32 to vector<16xi32>
    %add3A_699 = arith.addi %mul3A_696, %add3A_698 : vector<16xi32>
    %gather3A_700 = tpu.vector_load_idx %arg7[%add3A_699] : memref<1024xf32, #tpu.memory_space<vmem>>[vector<16xi32>], vector<16xf32>,
    %add3A_701 = arith.addf %add3A_690, %gather3A_700 : vector<16xf32>
    %swap3A_702 = arith.constant 9 : i32
    %swap3A_703 = arith.index_cast %swap3A_702 : i32 to index
    %swap3A_704 = arith.constant 0 : index
    %swap3A_705 = tpu.vector_load %arg8[%swap3A_703, %swap3A_704] {strides = array<i32>} : memref<16x16xf32, #tpu.memory_space<vmem>>, vector<16xf32>,
    tpu.vector_store %arg8[%swap3A_703, %swap3A_704], %add3A_701 {strides = array<i32>} : memref<16x16xf32, #tpu.memory_space<vmem>>, vector<16xf32>,
    %add3A_706 = arith.constant 160 : i32
    %add3A_707 = vector.broadcast %add3A_706 : i32 to vector<16xi32>
    %add3A_708 = arith.addi %add3A_707, %iota3A_226 : vector<16xi32>
    %mul3A_709 = arith.constant 4 : i32
    %mul3A_710 = vector.broadcast %mul3A_709 : i32 to vector<16xi32>
    %mul3A_711 = arith.muli %add3A_708, %mul3A_710 : vector<16xi32>
    %add3A_712 = arith.constant 0 : i32
    %add3A_713 = vector.broadcast %add3A_712 : i32 to vector<16xi32>
    %add3A_714 = arith.addi %mul3A_711, %add3A_713 : vector<16xi32>
    %gather3A_715 = tpu.vector_load_idx %arg7[%add3A_714] : memref<1024xf32, #tpu.memory_space<vmem>>[vector<16xi32>], vector<16xf32>,
    %add3A_716 = arith.addf %broadcast_in_dim3A_50, %gather3A_715 : vector<16xf32>
    %add3A_717 = arith.constant 160 : i32
    %add3A_718 = vector.broadcast %add3A_717 : i32 to vector<16xi32>
    %add3A_719 = arith.addi %add3A_718, %iota3A_226 : vector<16xi32>
    %mul3A_720 = arith.constant 4 : i32
    %mul3A_721 = vector.broadcast %mul3A_720 : i32 to vector<16xi32>
    %mul3A_722 = arith.muli %add3A_719, %mul3A_721 : vector<16xi32>
    %add3A_723 = arith.constant 1 : i32
    %add3A_724 = vector.broadcast %add3A_723 : i32 to vector<16xi32>
    %add3A_725 = arith.addi %mul3A_722, %add3A_724 : vector<16xi32>
    %gather3A_726 = tpu.vector_load_idx %arg7[%add3A_725] : memref<1024xf32, #tpu.memory_space<vmem>>[vector<16xi32>], vector<16xf32>,
    %add3A_727 = arith.addf %add3A_716, %gather3A_726 : vector<16xf32>
    %add3A_728 = arith.constant 160 : i32
    %add3A_729 = vector.broadcast %add3A_728 : i32 to vector<16xi32>
    %add3A_730 = arith.addi %add3A_729, %iota3A_226 : vector<16xi32>
    %mul3A_731 = arith.constant 4 : i32
    %mul3A_732 = vector.broadcast %mul3A_731 : i32 to vector<16xi32>
    %mul3A_733 = arith.muli %add3A_730, %mul3A_732 : vector<16xi32>
    %add3A_734 = arith.constant 2 : i32
    %add3A_735 = vector.broadcast %add3A_734 : i32 to vector<16xi32>
    %add3A_736 = arith.addi %mul3A_733, %add3A_735 : vector<16xi32>
    %gather3A_737 = tpu.vector_load_idx %arg7[%add3A_736] : memref<1024xf32, #tpu.memory_space<vmem>>[vector<16xi32>], vector<16xf32>,
    %add3A_738 = arith.addf %add3A_727, %gather3A_737 : vector<16xf32>
    %add3A_739 = arith.constant 160 : i32
    %add3A_740 = vector.broadcast %add3A_739 : i32 to vector<16xi32>
    %add3A_741 = arith.addi %add3A_740, %iota3A_226 : vector<16xi32>
    %mul3A_742 = arith.constant 4 : i32
    %mul3A_743 = vector.broadcast %mul3A_742 : i32 to vector<16xi32>
    %mul3A_744 = arith.muli %add3A_741, %mul3A_743 : vector<16xi32>
    %add3A_745 = arith.constant 3 : i32
    %add3A_746 = vector.broadcast %add3A_745 : i32 to vector<16xi32>
    %add3A_747 = arith.addi %mul3A_744, %add3A_746 : vector<16xi32>
    %gather3A_748 = tpu.vector_load_idx %arg7[%add3A_747] : memref<1024xf32, #tpu.memory_space<vmem>>[vector<16xi32>], vector<16xf32>,
    %add3A_749 = arith.addf %add3A_738, %gather3A_748 : vector<16xf32>
    %swap3A_750 = arith.constant 10 : i32
    %swap3A_751 = arith.index_cast %swap3A_750 : i32 to index
    %swap3A_752 = arith.constant 0 : index
    %swap3A_753 = tpu.vector_load %arg8[%swap3A_751, %swap3A_752] {strides = array<i32>} : memref<16x16xf32, #tpu.memory_space<vmem>>, vector<16xf32>,
    tpu.vector_store %arg8[%swap3A_751, %swap3A_752], %add3A_749 {strides = array<i32>} : memref<16x16xf32, #tpu.memory_space<vmem>>, vector<16xf32>,
    %add3A_754 = arith.constant 176 : i32
    %add3A_755 = vector.broadcast %add3A_754 : i32 to vector<16xi32>
    %add3A_756 = arith.addi %add3A_755, %iota3A_226 : vector<16xi32>
    %mul3A_757 = arith.constant 4 : i32
    %mul3A_758 = vector.broadcast %mul3A_757 : i32 to vector<16xi32>
    %mul3A_759 = arith.muli %add3A_756, %mul3A_758 : vector<16xi32>
    %add3A_760 = arith.constant 0 : i32
    %add3A_761 = vector.broadcast %add3A_760 : i32 to vector<16xi32>
    %add3A_762 = arith.addi %mul3A_759, %add3A_761 : vector<16xi32>
    %gather3A_763 = tpu.vector_load_idx %arg7[%add3A_762] : memref<1024xf32, #tpu.memory_space<vmem>>[vector<16xi32>], vector<16xf32>,
    %add3A_764 = arith.addf %broadcast_in_dim3A_50, %gather3A_763 : vector<16xf32>
    %add3A_765 = arith.constant 176 : i32
    %add3A_766 = vector.broadcast %add3A_765 : i32 to vector<16xi32>
    %add3A_767 = arith.addi %add3A_766, %iota3A_226 : vector<16xi32>
    %mul3A_768 = arith.constant 4 : i32
    %mul3A_769 = vector.broadcast %mul3A_768 : i32 to vector<16xi32>
    %mul3A_770 = arith.muli %add3A_767, %mul3A_769 : vector<16xi32>
    %add3A_771 = arith.constant 1 : i32
    %add3A_772 = vector.broadcast %add3A_771 : i32 to vector<16xi32>
    %add3A_773 = arith.addi %mul3A_770, %add3A_772 : vector<16xi32>
    %gather3A_774 = tpu.vector_load_idx %arg7[%add3A_773] : memref<1024xf32, #tpu.memory_space<vmem>>[vector<16xi32>], vector<16xf32>,
    %add3A_775 = arith.addf %add3A_764, %gather3A_774 : vector<16xf32>
    %add3A_776 = arith.constant 176 : i32
    %add3A_777 = vector.broadcast %add3A_776 : i32 to vector<16xi32>
    %add3A_778 = arith.addi %add3A_777, %iota3A_226 : vector<16xi32>
    %mul3A_779 = arith.constant 4 : i32
    %mul3A_780 = vector.broadcast %mul3A_779 : i32 to vector<16xi32>
    %mul3A_781 = arith.muli %add3A_778, %mul3A_780 : vector<16xi32>
    %add3A_782 = arith.constant 2 : i32
    %add3A_783 = vector.broadcast %add3A_782 : i32 to vector<16xi32>
    %add3A_784 = arith.addi %mul3A_781, %add3A_783 : vector<16xi32>
    %gather3A_785 = tpu.vector_load_idx %arg7[%add3A_784] : memref<1024xf32, #tpu.memory_space<vmem>>[vector<16xi32>], vector<16xf32>,
    %add3A_786 = arith.addf %add3A_775, %gather3A_785 : vector<16xf32>
    %add3A_787 = arith.constant 176 : i32
    %add3A_788 = vector.broadcast %add3A_787 : i32 to vector<16xi32>
    %add3A_789 = arith.addi %add3A_788, %iota3A_226 : vector<16xi32>
    %mul3A_790 = arith.constant 4 : i32
    %mul3A_791 = vector.broadcast %mul3A_790 : i32 to vector<16xi32>
    %mul3A_792 = arith.muli %add3A_789, %mul3A_791 : vector<16xi32>
    %add3A_793 = arith.constant 3 : i32
    %add3A_794 = vector.broadcast %add3A_793 : i32 to vector<16xi32>
    %add3A_795 = arith.addi %mul3A_792, %add3A_794 : vector<16xi32>
    %gather3A_796 = tpu.vector_load_idx %arg7[%add3A_795] : memref<1024xf32, #tpu.memory_space<vmem>>[vector<16xi32>], vector<16xf32>,
    %add3A_797 = arith.addf %add3A_786, %gather3A_796 : vector<16xf32>
    %swap3A_798 = arith.constant 11 : i32
    %swap3A_799 = arith.index_cast %swap3A_798 : i32 to index
    %swap3A_800 = arith.constant 0 : index
    %swap3A_801 = tpu.vector_load %arg8[%swap3A_799, %swap3A_800] {strides = array<i32>} : memref<16x16xf32, #tpu.memory_space<vmem>>, vector<16xf32>,
    tpu.vector_store %arg8[%swap3A_799, %swap3A_800], %add3A_797 {strides = array<i32>} : memref<16x16xf32, #tpu.memory_space<vmem>>, vector<16xf32>,
    %add3A_802 = arith.constant 192 : i32
    %add3A_803 = vector.broadcast %add3A_802 : i32 to vector<16xi32>
    %add3A_804 = arith.addi %add3A_803, %iota3A_226 : vector<16xi32>
    %mul3A_805 = arith.constant 4 : i32
    %mul3A_806 = vector.broadcast %mul3A_805 : i32 to vector<16xi32>
    %mul3A_807 = arith.muli %add3A_804, %mul3A_806 : vector<16xi32>
    %add3A_808 = arith.constant 0 : i32
    %add3A_809 = vector.broadcast %add3A_808 : i32 to vector<16xi32>
    %add3A_810 = arith.addi %mul3A_807, %add3A_809 : vector<16xi32>
    %gather3A_811 = tpu.vector_load_idx %arg7[%add3A_810] : memref<1024xf32, #tpu.memory_space<vmem>>[vector<16xi32>], vector<16xf32>,
    %add3A_812 = arith.addf %broadcast_in_dim3A_50, %gather3A_811 : vector<16xf32>
    %add3A_813 = arith.constant 192 : i32
    %add3A_814 = vector.broadcast %add3A_813 : i32 to vector<16xi32>
    %add3A_815 = arith.addi %add3A_814, %iota3A_226 : vector<16xi32>
    %mul3A_816 = arith.constant 4 : i32
    %mul3A_817 = vector.broadcast %mul3A_816 : i32 to vector<16xi32>
    %mul3A_818 = arith.muli %add3A_815, %mul3A_817 : vector<16xi32>
    %add3A_819 = arith.constant 1 : i32
    %add3A_820 = vector.broadcast %add3A_819 : i32 to vector<16xi32>
    %add3A_821 = arith.addi %mul3A_818, %add3A_820 : vector<16xi32>
    %gather3A_822 = tpu.vector_load_idx %arg7[%add3A_821] : memref<1024xf32, #tpu.memory_space<vmem>>[vector<16xi32>], vector<16xf32>,
    %add3A_823 = arith.addf %add3A_812, %gather3A_822 : vector<16xf32>
    %add3A_824 = arith.constant 192 : i32
    %add3A_825 = vector.broadcast %add3A_824 : i32 to vector<16xi32>
    %add3A_826 = arith.addi %add3A_825, %iota3A_226 : vector<16xi32>
    %mul3A_827 = arith.constant 4 : i32
    %mul3A_828 = vector.broadcast %mul3A_827 : i32 to vector<16xi32>
    %mul3A_829 = arith.muli %add3A_826, %mul3A_828 : vector<16xi32>
    %add3A_830 = arith.constant 2 : i32
    %add3A_831 = vector.broadcast %add3A_830 : i32 to vector<16xi32>
    %add3A_832 = arith.addi %mul3A_829, %add3A_831 : vector<16xi32>
    %gather3A_833 = tpu.vector_load_idx %arg7[%add3A_832] : memref<1024xf32, #tpu.memory_space<vmem>>[vector<16xi32>], vector<16xf32>,
    %add3A_834 = arith.addf %add3A_823, %gather3A_833 : vector<16xf32>
    %add3A_835 = arith.constant 192 : i32
    %add3A_836 = vector.broadcast %add3A_835 : i32 to vector<16xi32>
    %add3A_837 = arith.addi %add3A_836, %iota3A_226 : vector<16xi32>
    %mul3A_838 = arith.constant 4 : i32
    %mul3A_839 = vector.broadcast %mul3A_838 : i32 to vector<16xi32>
    %mul3A_840 = arith.muli %add3A_837, %mul3A_839 : vector<16xi32>
    %add3A_841 = arith.constant 3 : i32
    %add3A_842 = vector.broadcast %add3A_841 : i32 to vector<16xi32>
    %add3A_843 = arith.addi %mul3A_840, %add3A_842 : vector<16xi32>
    %gather3A_844 = tpu.vector_load_idx %arg7[%add3A_843] : memref<1024xf32, #tpu.memory_space<vmem>>[vector<16xi32>], vector<16xf32>,
    %add3A_845 = arith.addf %add3A_834, %gather3A_844 : vector<16xf32>
    %swap3A_846 = arith.constant 12 : i32
    %swap3A_847 = arith.index_cast %swap3A_846 : i32 to index
    %swap3A_848 = arith.constant 0 : index
    %swap3A_849 = tpu.vector_load %arg8[%swap3A_847, %swap3A_848] {strides = array<i32>} : memref<16x16xf32, #tpu.memory_space<vmem>>, vector<16xf32>,
    tpu.vector_store %arg8[%swap3A_847, %swap3A_848], %add3A_845 {strides = array<i32>} : memref<16x16xf32, #tpu.memory_space<vmem>>, vector<16xf32>,
    %add3A_850 = arith.constant 208 : i32
    %add3A_851 = vector.broadcast %add3A_850 : i32 to vector<16xi32>
    %add3A_852 = arith.addi %add3A_851, %iota3A_226 : vector<16xi32>
    %mul3A_853 = arith.constant 4 : i32
    %mul3A_854 = vector.broadcast %mul3A_853 : i32 to vector<16xi32>
    %mul3A_855 = arith.muli %add3A_852, %mul3A_854 : vector<16xi32>
    %add3A_856 = arith.constant 0 : i32
    %add3A_857 = vector.broadcast %add3A_856 : i32 to vector<16xi32>
    %add3A_858 = arith.addi %mul3A_855, %add3A_857 : vector<16xi32>
    %gather3A_859 = tpu.vector_load_idx %arg7[%add3A_858] : memref<1024xf32, #tpu.memory_space<vmem>>[vector<16xi32>], vector<16xf32>,
    %add3A_860 = arith.addf %broadcast_in_dim3A_50, %gather3A_859 : vector<16xf32>
    %add3A_861 = arith.constant 208 : i32
    %add3A_862 = vector.broadcast %add3A_861 : i32 to vector<16xi32>
    %add3A_863 = arith.addi %add3A_862, %iota3A_226 : vector<16xi32>
    %mul3A_864 = arith.constant 4 : i32
    %mul3A_865 = vector.broadcast %mul3A_864 : i32 to vector<16xi32>
    %mul3A_866 = arith.muli %add3A_863, %mul3A_865 : vector<16xi32>
    %add3A_867 = arith.constant 1 : i32
    %add3A_868 = vector.broadcast %add3A_867 : i32 to vector<16xi32>
    %add3A_869 = arith.addi %mul3A_866, %add3A_868 : vector<16xi32>
    %gather3A_870 = tpu.vector_load_idx %arg7[%add3A_869] : memref<1024xf32, #tpu.memory_space<vmem>>[vector<16xi32>], vector<16xf32>,
    %add3A_871 = arith.addf %add3A_860, %gather3A_870 : vector<16xf32>
    %add3A_872 = arith.constant 208 : i32
    %add3A_873 = vector.broadcast %add3A_872 : i32 to vector<16xi32>
    %add3A_874 = arith.addi %add3A_873, %iota3A_226 : vector<16xi32>
    %mul3A_875 = arith.constant 4 : i32
    %mul3A_876 = vector.broadcast %mul3A_875 : i32 to vector<16xi32>
    %mul3A_877 = arith.muli %add3A_874, %mul3A_876 : vector<16xi32>
    %add3A_878 = arith.constant 2 : i32
    %add3A_879 = vector.broadcast %add3A_878 : i32 to vector<16xi32>
    %add3A_880 = arith.addi %mul3A_877, %add3A_879 : vector<16xi32>
    %gather3A_881 = tpu.vector_load_idx %arg7[%add3A_880] : memref<1024xf32, #tpu.memory_space<vmem>>[vector<16xi32>], vector<16xf32>,
    %add3A_882 = arith.addf %add3A_871, %gather3A_881 : vector<16xf32>
    %add3A_883 = arith.constant 208 : i32
    %add3A_884 = vector.broadcast %add3A_883 : i32 to vector<16xi32>
    %add3A_885 = arith.addi %add3A_884, %iota3A_226 : vector<16xi32>
    %mul3A_886 = arith.constant 4 : i32
    %mul3A_887 = vector.broadcast %mul3A_886 : i32 to vector<16xi32>
    %mul3A_888 = arith.muli %add3A_885, %mul3A_887 : vector<16xi32>
    %add3A_889 = arith.constant 3 : i32
    %add3A_890 = vector.broadcast %add3A_889 : i32 to vector<16xi32>
    %add3A_891 = arith.addi %mul3A_888, %add3A_890 : vector<16xi32>
    %gather3A_892 = tpu.vector_load_idx %arg7[%add3A_891] : memref<1024xf32, #tpu.memory_space<vmem>>[vector<16xi32>], vector<16xf32>,
    %add3A_893 = arith.addf %add3A_882, %gather3A_892 : vector<16xf32>
    %swap3A_894 = arith.constant 13 : i32
    %swap3A_895 = arith.index_cast %swap3A_894 : i32 to index
    %swap3A_896 = arith.constant 0 : index
    %swap3A_897 = tpu.vector_load %arg8[%swap3A_895, %swap3A_896] {strides = array<i32>} : memref<16x16xf32, #tpu.memory_space<vmem>>, vector<16xf32>,
    tpu.vector_store %arg8[%swap3A_895, %swap3A_896], %add3A_893 {strides = array<i32>} : memref<16x16xf32, #tpu.memory_space<vmem>>, vector<16xf32>,
    %add3A_898 = arith.constant 224 : i32
    %add3A_899 = vector.broadcast %add3A_898 : i32 to vector<16xi32>
    %add3A_900 = arith.addi %add3A_899, %iota3A_226 : vector<16xi32>
    %mul3A_901 = arith.constant 4 : i32
    %mul3A_902 = vector.broadcast %mul3A_901 : i32 to vector<16xi32>
    %mul3A_903 = arith.muli %add3A_900, %mul3A_902 : vector<16xi32>
    %add3A_904 = arith.constant 0 : i32
    %add3A_905 = vector.broadcast %add3A_904 : i32 to vector<16xi32>
    %add3A_906 = arith.addi %mul3A_903, %add3A_905 : vector<16xi32>
    %gather3A_907 = tpu.vector_load_idx %arg7[%add3A_906] : memref<1024xf32, #tpu.memory_space<vmem>>[vector<16xi32>], vector<16xf32>,
    %add3A_908 = arith.addf %broadcast_in_dim3A_50, %gather3A_907 : vector<16xf32>
    %add3A_909 = arith.constant 224 : i32
    %add3A_910 = vector.broadcast %add3A_909 : i32 to vector<16xi32>
    %add3A_911 = arith.addi %add3A_910, %iota3A_226 : vector<16xi32>
    %mul3A_912 = arith.constant 4 : i32
    %mul3A_913 = vector.broadcast %mul3A_912 : i32 to vector<16xi32>
    %mul3A_914 = arith.muli %add3A_911, %mul3A_913 : vector<16xi32>
    %add3A_915 = arith.constant 1 : i32
    %add3A_916 = vector.broadcast %add3A_915 : i32 to vector<16xi32>
    %add3A_917 = arith.addi %mul3A_914, %add3A_916 : vector<16xi32>
    %gather3A_918 = tpu.vector_load_idx %arg7[%add3A_917] : memref<1024xf32, #tpu.memory_space<vmem>>[vector<16xi32>], vector<16xf32>,
    %add3A_919 = arith.addf %add3A_908, %gather3A_918 : vector<16xf32>
    %add3A_920 = arith.constant 224 : i32
    %add3A_921 = vector.broadcast %add3A_920 : i32 to vector<16xi32>
    %add3A_922 = arith.addi %add3A_921, %iota3A_226 : vector<16xi32>
    %mul3A_923 = arith.constant 4 : i32
    %mul3A_924 = vector.broadcast %mul3A_923 : i32 to vector<16xi32>
    %mul3A_925 = arith.muli %add3A_922, %mul3A_924 : vector<16xi32>
    %add3A_926 = arith.constant 2 : i32
    %add3A_927 = vector.broadcast %add3A_926 : i32 to vector<16xi32>
    %add3A_928 = arith.addi %mul3A_925, %add3A_927 : vector<16xi32>
    %gather3A_929 = tpu.vector_load_idx %arg7[%add3A_928] : memref<1024xf32, #tpu.memory_space<vmem>>[vector<16xi32>], vector<16xf32>,
    %add3A_930 = arith.addf %add3A_919, %gather3A_929 : vector<16xf32>
    %add3A_931 = arith.constant 224 : i32
    %add3A_932 = vector.broadcast %add3A_931 : i32 to vector<16xi32>
    %add3A_933 = arith.addi %add3A_932, %iota3A_226 : vector<16xi32>
    %mul3A_934 = arith.constant 4 : i32
    %mul3A_935 = vector.broadcast %mul3A_934 : i32 to vector<16xi32>
    %mul3A_936 = arith.muli %add3A_933, %mul3A_935 : vector<16xi32>
    %add3A_937 = arith.constant 3 : i32
    %add3A_938 = vector.broadcast %add3A_937 : i32 to vector<16xi32>
    %add3A_939 = arith.addi %mul3A_936, %add3A_938 : vector<16xi32>
    %gather3A_940 = tpu.vector_load_idx %arg7[%add3A_939] : memref<1024xf32, #tpu.memory_space<vmem>>[vector<16xi32>], vector<16xf32>,
    %add3A_941 = arith.addf %add3A_930, %gather3A_940 : vector<16xf32>
    %swap3A_942 = arith.constant 14 : i32
    %swap3A_943 = arith.index_cast %swap3A_942 : i32 to index
    %swap3A_944 = arith.constant 0 : index
    %swap3A_945 = tpu.vector_load %arg8[%swap3A_943, %swap3A_944] {strides = array<i32>} : memref<16x16xf32, #tpu.memory_space<vmem>>, vector<16xf32>,
    tpu.vector_store %arg8[%swap3A_943, %swap3A_944], %add3A_941 {strides = array<i32>} : memref<16x16xf32, #tpu.memory_space<vmem>>, vector<16xf32>,
    %add3A_946 = arith.constant 240 : i32
    %add3A_947 = vector.broadcast %add3A_946 : i32 to vector<16xi32>
    %add3A_948 = arith.addi %add3A_947, %iota3A_226 : vector<16xi32>
    %mul3A_949 = arith.constant 4 : i32
    %mul3A_950 = vector.broadcast %mul3A_949 : i32 to vector<16xi32>
    %mul3A_951 = arith.muli %add3A_948, %mul3A_950 : vector<16xi32>
    %add3A_952 = arith.constant 0 : i32
    %add3A_953 = vector.broadcast %add3A_952 : i32 to vector<16xi32>
    %add3A_954 = arith.addi %mul3A_951, %add3A_953 : vector<16xi32>
    %gather3A_955 = tpu.vector_load_idx %arg7[%add3A_954] : memref<1024xf32, #tpu.memory_space<vmem>>[vector<16xi32>], vector<16xf32>,
    %add3A_956 = arith.addf %broadcast_in_dim3A_50, %gather3A_955 : vector<16xf32>
    %add3A_957 = arith.constant 240 : i32
    %add3A_958 = vector.broadcast %add3A_957 : i32 to vector<16xi32>
    %add3A_959 = arith.addi %add3A_958, %iota3A_226 : vector<16xi32>
    %mul3A_960 = arith.constant 4 : i32
    %mul3A_961 = vector.broadcast %mul3A_960 : i32 to vector<16xi32>
    %mul3A_962 = arith.muli %add3A_959, %mul3A_961 : vector<16xi32>
    %add3A_963 = arith.constant 1 : i32
    %add3A_964 = vector.broadcast %add3A_963 : i32 to vector<16xi32>
    %add3A_965 = arith.addi %mul3A_962, %add3A_964 : vector<16xi32>
    %gather3A_966 = tpu.vector_load_idx %arg7[%add3A_965] : memref<1024xf32, #tpu.memory_space<vmem>>[vector<16xi32>], vector<16xf32>,
    %add3A_967 = arith.addf %add3A_956, %gather3A_966 : vector<16xf32>
    %add3A_968 = arith.constant 240 : i32
    %add3A_969 = vector.broadcast %add3A_968 : i32 to vector<16xi32>
    %add3A_970 = arith.addi %add3A_969, %iota3A_226 : vector<16xi32>
    %mul3A_971 = arith.constant 4 : i32
    %mul3A_972 = vector.broadcast %mul3A_971 : i32 to vector<16xi32>
    %mul3A_973 = arith.muli %add3A_970, %mul3A_972 : vector<16xi32>
    %add3A_974 = arith.constant 2 : i32
    %add3A_975 = vector.broadcast %add3A_974 : i32 to vector<16xi32>
    %add3A_976 = arith.addi %mul3A_973, %add3A_975 : vector<16xi32>
    %gather3A_977 = tpu.vector_load_idx %arg7[%add3A_976] : memref<1024xf32, #tpu.memory_space<vmem>>[vector<16xi32>], vector<16xf32>,
    %add3A_978 = arith.addf %add3A_967, %gather3A_977 : vector<16xf32>
    %add3A_979 = arith.constant 240 : i32
    %add3A_980 = vector.broadcast %add3A_979 : i32 to vector<16xi32>
    %add3A_981 = arith.addi %add3A_980, %iota3A_226 : vector<16xi32>
    %mul3A_982 = arith.constant 4 : i32
    %mul3A_983 = vector.broadcast %mul3A_982 : i32 to vector<16xi32>
    %mul3A_984 = arith.muli %add3A_981, %mul3A_983 : vector<16xi32>
    %add3A_985 = arith.constant 3 : i32
    %add3A_986 = vector.broadcast %add3A_985 : i32 to vector<16xi32>
    %add3A_987 = arith.addi %mul3A_984, %add3A_986 : vector<16xi32>
    %gather3A_988 = tpu.vector_load_idx %arg7[%add3A_987] : memref<1024xf32, #tpu.memory_space<vmem>>[vector<16xi32>], vector<16xf32>,
    %add3A_989 = arith.addf %add3A_978, %gather3A_988 : vector<16xf32>
    %swap3A_990 = arith.constant 15 : i32
    %swap3A_991 = arith.index_cast %swap3A_990 : i32 to index
    %swap3A_992 = arith.constant 0 : index
    %swap3A_993 = tpu.vector_load %arg8[%swap3A_991, %swap3A_992] {strides = array<i32>} : memref<16x16xf32, #tpu.memory_space<vmem>>, vector<16xf32>,
    tpu.vector_store %arg8[%swap3A_991, %swap3A_992], %add3A_989 {strides = array<i32>} : memref<16x16xf32, #tpu.memory_space<vmem>>, vector<16xf32>,
    "tpu.region"() ({
      %run_scoped3A = tpu.sem_alloc : memref<!tpu.dma_semaphore, #tpu.memory_space<semaphore_mem>>
      %dma_start3A_994 = arith.constant 0 : i32
      %dma_start3A_995 = arith.constant 0 : i32
      %dma_start3A_996 = tpu.memref_slice %arg4[%add3A, %dma_start3A_994, %dma_start3A_995] : memref<32x16x16xf32, #tpu.memory_space<hbm>> -> memref<1x16x16xf32, #tpu.memory_space<hbm>>
      %dma_start3A_997 = tpu.memref_squeeze %dma_start3A_996 : memref<1x16x16xf32, #tpu.memory_space<hbm>> -> memref<16x16xf32, #tpu.memory_space<hbm>>
      %dma_start3A_998 = arith.constant 0 : i32
      %dma_start3A_999 = arith.constant 0 : i32
      %dma_start3A_1000 = tpu.memref_slice %arg4[%add3A, %dma_start3A_998, %dma_start3A_999] : memref<32x16x16xf32, #tpu.memory_space<hbm>> -> memref<1x16x16xf32, #tpu.memory_space<hbm>>
      %dma_start3A_1001 = tpu.memref_squeeze %dma_start3A_1000 : memref<1x16x16xf32, #tpu.memory_space<hbm>> -> memref<16x16xf32, #tpu.memory_space<hbm>>
      tpu.enqueue_dma source(%arg8 : memref<16x16xf32, #tpu.memory_space<vmem>>) target(%dma_start3A_1001 : memref<16x16xf32, #tpu.memory_space<hbm>>) target_semaphore(%run_scoped3A : memref<!tpu.dma_semaphore, #tpu.memory_space<semaphore_mem>>)
      %dma_wait3A_1002 = arith.constant 0 : i32
      %dma_wait3A_1003 = arith.constant 0 : i32
      %dma_wait3A_1004 = tpu.memref_slice %arg4[%add3A, %dma_wait3A_1002, %dma_wait3A_1003] : memref<32x16x16xf32, #tpu.memory_space<hbm>> -> memref<1x16x16xf32, #tpu.memory_space<hbm>>
      %dma_wait3A_1005 = tpu.memref_squeeze %dma_wait3A_1004 : memref<1x16x16xf32, #tpu.memory_space<hbm>> -> memref<16x16xf32, #tpu.memory_space<hbm>>
      %dma_wait3A_1006 = arith.constant 0 : i32
      %dma_wait3A_1007 = arith.constant 0 : i32
      %dma_wait3A_1008 = tpu.memref_slice %arg4[%add3A, %dma_wait3A_1006, %dma_wait3A_1007] : memref<32x16x16xf32, #tpu.memory_space<hbm>> -> memref<1x16x16xf32, #tpu.memory_space<hbm>>
      %dma_wait3A_1009 = tpu.memref_squeeze %dma_wait3A_1008 : memref<1x16x16xf32, #tpu.memory_space<hbm>> -> memref<16x16xf32, #tpu.memory_space<hbm>>
      tpu.wait_dma2 semaphore(%run_scoped3A : memref<!tpu.dma_semaphore, #tpu.memory_space<semaphore_mem>>) src(%arg8 : memref<16x16xf32, #tpu.memory_space<vmem>>) dst(%dma_wait3A_1009 : memref<16x16xf32, #tpu.memory_space<hbm>>)
      tpu.yield
    }) : () -> ()
    return
  }
}

module attributes {stable_mosaic.version = 14 : i64} {
  func.func @_finalize_body(%arg0: memref<32x16x16xf32, #tpu.memory_space<vmem>>, %arg1: memref<1x1xf32, #tpu.memory_space<vmem>>) attributes {dimension_semantics = [], scalar_prefetch = 0 : i64, scratch_operands = 0 : i64, tpu.core_type = #tpu.core_type<tc>} {
    %get3A = arith.constant 0 : index
    %get3A_0 = arith.constant 0 : index
    %get3A_1 = arith.constant 0 : index
    %get3A_2 = vector.load %arg0[%get3A, %get3A_0, %get3A_1] : memref<32x16x16xf32, #tpu.memory_space<vmem>>, vector<32x16x16xf32>
    %reduce_sum3A = arith.constant dense<0.000000e+00> : vector<16x16xf32>
    %reduce_sum3A_3 = vector.multi_reduction <add>, %get3A_2, %reduce_sum3A [0] : vector<32x16x16xf32> to vector<16x16xf32>
    %reduce_sum3A_4 = arith.constant dense<0.000000e+00> : vector<16xf32>
    %reduce_sum3A_5 = vector.multi_reduction <add>, %reduce_sum3A_3, %reduce_sum3A_4 [1] : vector<16x16xf32> to vector<16xf32>
    %broadcast_in_dim3A = vector.shape_cast %reduce_sum3A_5 : vector<16xf32> to vector<16x1xf32>
    %reduce_sum3A_6 = arith.constant dense<0.000000e+00> : vector<16xf32>
    %reduce_sum3A_7 = vector.multi_reduction <add>, %reduce_sum3A_3, %reduce_sum3A_6 [0] : vector<16x16xf32> to vector<16xf32>
    %broadcast_in_dim3A_8 = vector.shape_cast %reduce_sum3A_7 : vector<16xf32> to vector<1x16xf32>
    %add3A = vector.broadcast %broadcast_in_dim3A : vector<16x1xf32> to vector<16x16xf32>
    %add3A_9 = vector.broadcast %broadcast_in_dim3A_8 : vector<1x16xf32> to vector<16x16xf32>
    %add3A_10 = arith.addf %add3A, %add3A_9 : vector<16x16xf32>
    %sub3A = arith.subf %add3A_10, %reduce_sum3A_3 : vector<16x16xf32>
    %max3A = arith.constant 1.000000e+00 : f32
    %max3A_11 = vector.broadcast %max3A : f32 to vector<16x16xf32>
    %max3A_12 = arith.maximumf %sub3A, %max3A_11 : vector<16x16xf32>
    %div3A = arith.divf %reduce_sum3A_3, %max3A_12 : vector<16x16xf32>
    %iota3A = tpu.iota {dimensions = array<i32: 1>} : vector<16x16xi32>
    %ge3A = arith.constant 1 : i32
    %ge3A_13 = vector.broadcast %ge3A : i32 to vector<16x16xi32>
    %ge3A_14 = arith.cmpi sge, %iota3A, %ge3A_13 : vector<16x16xi32>
    %jit3A = arith.constant 0.000000e+00 : f32
    %broadcast_in_dim3A_15 = vector.broadcast %jit3A : f32 to vector<16x16xf32>
    %select_n3A = arith.select %ge3A_14, %div3A, %broadcast_in_dim3A_15 : vector<16x16xi1>, vector<16x16xf32>
    %reduce_max3A = arith.constant dense<0xFF800000> : vector<16xf32>
    %reduce_max3A_16 = vector.multi_reduction <maximumf>, %select_n3A, %reduce_max3A [1] : vector<16x16xf32> to vector<16xf32>
    %broadcast_in_dim3A_17 = vector.shape_cast %reduce_max3A_16 : vector<16xf32> to vector<16x1xf32>
    %iota3A_18 = tpu.iota {dimensions = array<i32: 0>} : vector<16x1xi32>
    %gt3A = arith.constant 0.000000e+00 : f32
    %gt3A_19 = vector.broadcast %gt3A : f32 to vector<16x1xf32>
    %gt3A_20 = arith.cmpf ogt, %broadcast_in_dim3A, %gt3A_19 : vector<16x1xf32>
    %ge3A_21 = arith.constant 1 : i32
    %ge3A_22 = vector.broadcast %ge3A_21 : i32 to vector<16x1xi32>
    %ge3A_23 = arith.cmpi sge, %iota3A_18, %ge3A_22 : vector<16x1xi32>
    %and3A = arith.andi %gt3A_20, %ge3A_23 : vector<16x1xi1>
    %sub3A_24 = arith.constant 1.000000e+00 : f32
    %sub3A_25 = vector.broadcast %sub3A_24 : f32 to vector<16x1xf32>
    %sub3A_26 = arith.subf %sub3A_25, %broadcast_in_dim3A_17 : vector<16x1xf32>
    %jit3A_27 = arith.constant 0.000000e+00 : f32
    %broadcast_in_dim3A_28 = vector.broadcast %jit3A_27 : f32 to vector<16x1xf32>
    %select_n3A_29 = arith.select %and3A, %sub3A_26, %broadcast_in_dim3A_28 : vector<16x1xi1>, vector<16x1xf32>
    %reduce_sum3A_30 = vector.shape_cast %select_n3A_29 : vector<16x1xf32> to vector<1x16x1xf32>
    %reduce_sum3A_31 = arith.constant dense<0.000000e+00> : vector<1xf32>
    %reduce_sum3A_32 = vector.multi_reduction <add>, %reduce_sum3A_30, %reduce_sum3A_31 [1, 2] : vector<1x16x1xf32> to vector<1xf32>
    %reduce_sum3A_33 = vector.shape_cast %reduce_sum3A_32 : vector<1xf32> to vector<1x1x1xf32>
    %reduce_sum3A_34 = vector.extract %reduce_sum3A_33[0, 0, 0] : f32 from vector<1x1x1xf32>
    %jit3A_35 = arith.constant 1.000000e+00 : f32
    %jit3A_36 = arith.constant 0.000000e+00 : f32
    %broadcast_in_dim3A_37 = vector.broadcast %jit3A_35 : f32 to vector<16x1xf32>
    %broadcast_in_dim3A_38 = vector.broadcast %jit3A_36 : f32 to vector<16x1xf32>
    %select_n3A_39 = arith.select %and3A, %broadcast_in_dim3A_37, %broadcast_in_dim3A_38 : vector<16x1xi1>, vector<16x1xf32>
    %reduce_sum3A_40 = vector.shape_cast %select_n3A_39 : vector<16x1xf32> to vector<1x16x1xf32>
    %reduce_sum3A_41 = arith.constant dense<0.000000e+00> : vector<1xf32>
    %reduce_sum3A_42 = vector.multi_reduction <add>, %reduce_sum3A_40, %reduce_sum3A_41 [1, 2] : vector<1x16x1xf32> to vector<1xf32>
    %reduce_sum3A_43 = vector.shape_cast %reduce_sum3A_42 : vector<1xf32> to vector<1x1x1xf32>
    %reduce_sum3A_44 = vector.extract %reduce_sum3A_43[0, 0, 0] : f32 from vector<1x1x1xf32>
    %convert_element_type3A = arith.sitofp %iota3A_18 : vector<16x1xi32> to vector<16x1xf32>
    %mul3A = arith.mulf %broadcast_in_dim3A, %convert_element_type3A : vector<16x1xf32>
    %reduce_sum3A_45 = vector.shape_cast %mul3A : vector<16x1xf32> to vector<1x16x1xf32>
    %reduce_sum3A_46 = arith.constant dense<0.000000e+00> : vector<1xf32>
    %reduce_sum3A_47 = vector.multi_reduction <add>, %reduce_sum3A_45, %reduce_sum3A_46 [1, 2] : vector<1x16x1xf32> to vector<1xf32>
    %reduce_sum3A_48 = vector.shape_cast %reduce_sum3A_47 : vector<1xf32> to vector<1x1x1xf32>
    %reduce_sum3A_49 = vector.extract %reduce_sum3A_48[0, 0, 0] : f32 from vector<1x1x1xf32>
    %iota3A_50 = tpu.iota {dimensions = array<i32: 1>} : vector<1x16xi32>
    %convert_element_type3A_51 = arith.sitofp %iota3A_50 : vector<1x16xi32> to vector<1x16xf32>
    %mul3A_52 = arith.mulf %broadcast_in_dim3A_8, %convert_element_type3A_51 : vector<1x16xf32>
    %reduce_sum3A_53 = vector.shape_cast %mul3A_52 : vector<1x16xf32> to vector<1x1x16xf32>
    %reduce_sum3A_54 = arith.constant dense<0.000000e+00> : vector<1xf32>
    %reduce_sum3A_55 = vector.multi_reduction <add>, %reduce_sum3A_53, %reduce_sum3A_54 [1, 2] : vector<1x1x16xf32> to vector<1xf32>
    %reduce_sum3A_56 = vector.shape_cast %reduce_sum3A_55 : vector<1xf32> to vector<1x1x1xf32>
    %reduce_sum3A_57 = vector.extract %reduce_sum3A_56[0, 0, 0] : f32 from vector<1x1x1xf32>
    %div3A_58 = arith.constant 9.99999995E+11 : f32
    %div3A_59 = arith.divf %reduce_sum3A_49, %div3A_58 : f32
    %add3A_60 = arith.addf %reduce_sum3A_34, %div3A_59 : f32
    %div3A_61 = arith.constant 9.99999995E+11 : f32
    %div3A_62 = arith.divf %reduce_sum3A_57, %div3A_61 : f32
    %add3A_63 = arith.addf %add3A_60, %div3A_62 : f32
    %eq3A = arith.constant 0.000000e+00 : f32
    %eq3A_64 = arith.cmpf oeq, %reduce_sum3A_44, %eq3A : f32
    %jit3A_65 = arith.constant 0.000000e+00 : f32
    %select_n3A_66 = arith.select %eq3A_64, %jit3A_65, %add3A_63 : f32
    %reshape3A = vector.broadcast %select_n3A_66 : f32 to vector<1x1xf32>
    %swap3A = arith.constant 0 : index
    %swap3A_67 = arith.constant 0 : index
    %swap3A_68 = vector.load %arg1[%swap3A, %swap3A_67] : memref<1x1xf32, #tpu.memory_space<vmem>>, vector<1x1xf32>
    tpu.vector_store %arg1[%swap3A, %swap3A_67], %reshape3A {strides = array<i32>} : memref<1x1xf32, #tpu.memory_space<vmem>>, vector<1x1xf32>,
    return
  }
}

</mosaic_0001>

<sc_bundles>
// kernel: _run.4.cloned.1.call-start
scs
__scs_entry_jumppad:
0x0: {  	(pc) =	sbr.rel $0x88, $3  }
0x1: {  	(tag) =	ssettag $0x0;
	lr =	simm.s32 $0x1  }
0x2: {  	[smem:$0x3F9F] =	sst lr;
	_ =	strace $0xD0000000  }
0x3: {  	_ = 	snop  }
0x4: {  	_ = 	snop  }
0x5: {  	_ = 	snop  }
0x6: {  	_ = 	snop  }
0x7: {  	_ = 	snop  }
__scs_overlays_trampoline_lowered:
0x8: {  	[smem:$0x3FAE] =	sst s0  }
0x9: {  	[smem:$0x3FAF] =	sst s1  }
0xa: {  	[smem:$0x3FB0] =	sst s2  }
0xb: {  	[smem:$0x3FB1] =	sst s3  }
0xc: {  	[smem:$0x3FB2] =	sst s4  }
0xd: {  	[smem:$0x3FB3] =	sst s5  }
0xe: {  	[smem:$0x3FB4] =	sst s6  }
0xf: {  	[smem:$0x3FB5] =	sst s7  }
0x10: {  	[smem:$0x3FB6] =	sst s8  }
0x11: {  	[smem:$0x3FB7] =	sst s9;
	s0 =	simm.s32 @!p0 $0x0  }
0x12: {  	s1 =	sld [smem:$0x3F9D];
	s0 =	simm.s32 @p0 $0x1  }
0x13: {  	[smem:$0x3FB8] =	sst s0;
	s0 =	simm.s32 @!p1 $0x0  }
0x14: {  	s2 =	sld [smem:$0x3F9C];
	s0 =	simm.s32 @p1 $0x1  }
0x15: {  	[smem:$0x3FB9] =	sst s0;
	s0 =	simm.s32 @!p2 $0x0  }
0x16: {  	s3 =	sld [smem:$0x3FDB];
	s0 =	simm.s32 @p2 $0x1  }
0x17: {  	s4 =	simm.s32 $0x1BF5;
	[smem:$0x3FBB] =	sst s0  }
0x18: {  	s0 =	sld [smem:$0x3F9E];
	_ =	swait.ge [sflag:s4], $0x0  }
0x19: {  	s7 =	sld [smem:$0x3F9F]  }
0x1a: {  	s8 =	sadd.s32 $0xFFFFE003, lr  }
0x1b: {  	s9 =	sadd.s32 $0xFFFFFEF7, lr;
	s5 =	simm.s32 $0xFFFFFFFF;
	p2 =	slt.u32 s8, $0xFFFFF086  }
0x1c: {  	p1 =	slt.u32 s9, $0xF7A;
	s5 =	simm.s32 @!p2 $0x0  }
0x1d: {  	s5 =	simm.s32 @p1 $0x1;
	p0 =	seq.s32 s7, s2  }
0x1e: {  	s7 =	smul.u32 @!p0 $0xF7A, s2;
	p2 =	seq.s32 @!p0 s5, $0x0  }
0x1f: {  	s9 =	smul.u32 $0xF7A, s1;
	s8 =	simm.s32 @!p0 $0x1BF5;
	p2 =	por !p2, p0  }
0x20: {  	[sflag:s8] =	ssyncset.s32 @!p0 $0xFFFFF086;
	s6 =	sadd.s32 @!p0 s3, s7;
	s7 =	simm.s32 @!p0 $0x108  }
0x21: {  	s3 =	sadd.s32 s3, s9;
	s6 =	sadd.s32 @!p0 $0x88, s6;
	s7 =	simm.s32 @p2 $0x1082  }
0x22: {  	[simem:s7], [sflag:s8] =	dma.local @!p0 [hbm:s6], $0xF7A  }
0x23: {  	s9 =	sor.u32 $0xD0000000, s2;
	s6 =	simm.s32 $0x108;
	_ =	swait.ge @!p0 [sflag:s8], $0x0  }
0x24: {  	s3 =	sadd.s32 $0x88, s3;
	s6 =	simm.s32 @!p1 $0x1082;
	[sflag:s4] =	ssyncset.s32 $0xFFFFF086  }
0x25: {  	[simem:s6], [sflag:s4] =	dma.local [hbm:s3], $0xF7A  }
0x26: {  	[smem:$0x3F9F] =	sst s1;
	(tag) =	ssettag s2;
	_ =	strace s9  }
0x27: {  	s1 =	sld [smem:$0x3FAF]  }
0x28: {  	s2 =	sld [smem:$0x3FB0]  }
0x29: {  	s4 =	sld [smem:$0x3FB2]  }
0x2a: {  	p0 =	seq.s32 s5, $0x0;
	s5 =	sld [smem:$0x3FB3]  }
0x2b: {  	s6 =	sld [smem:$0x3FB4]  }
0x2c: {  	s7 =	sld [smem:$0x3FB5]  }
0x2d: {  	s3 =	simm.s32 $0x108;
	s8 =	sld [smem:$0x3FB6]  }
0x2e: {  	s3 =	simm.s32 @!p0 $0x1082;
	s9 =	sld [smem:$0x3FB7]  }
0x2f: {  	lr =	sadd.s32 s0, s3;
	s0 =	sld [smem:$0x3FAE]  }
0x30: {  	s3 =	sld [smem:$0x3FB1]  }
0x31: {  	[smem:$0x3FBA] =	sst s10  }
0x32: {  	s10 =	sld [smem:$0x3FB8];
	_ =	sdelay $0x3  }
0x33: {  	p0 =	seq.s32 s10, $0x1;
	s10 =	sld [smem:$0x3FBA];
	_ =	sdelay $0x3  }
0x34: {  	[smem:$0x3FBA] =	sst s10  }
0x35: {  	s10 =	sld [smem:$0x3FB9];
	_ =	sdelay $0x3  }
0x36: {  	p1 =	seq.s32 s10, $0x1;
	s10 =	sld [smem:$0x3FBA];
	_ =	sdelay $0x3  }
0x37: {  	[smem:$0x3FBA] =	sst s10  }
0x38: {  	s10 =	sld [smem:$0x3FBB]  }
0x39: {  	_ = 	snop;
	(pc) =	sbr.ind lr, $3  }
0x3a: {  	_ = 	snop  }
0x3b: {  	_ = 	snop  }
0x3c: {  	p2 =	seq.s32 s10, $0x1;
	s10 =	sld [smem:$0x3FBA]  }
0x3d: {  	_ =	shalt  }
0x3e: {  	_ =	shalt  }
0x3f: {  	_ =	shalt  }
0x40: {  	_ =	shalt  }
0x41: {  	_ =	shalt  }
0x42: {  	_ =	shalt  }
0x43: {  	_ =	shalt  }
0x44: {  	_ =	shalt  }
0x45: {  	_ =	shalt  }
0x46: {  	_ =	shalt  }
0x47: {  	_ =	shalt  }
0x48: {  	_ =	shalt  }
0x49: {  	_ =	shalt  }
0x4a: {  	_ =	shalt  }
0x4b: {  	_ =	shalt  }
0x4c: {  	_ =	shalt  }
0x4d: {  	_ =	shalt  }
0x4e: {  	_ =	shalt  }
0x4f: {  	_ =	shalt  }
0x50: {  	_ =	shalt  }
0x51: {  	_ =	shalt  }
0x52: {  	_ =	shalt  }
0x53: {  	_ =	shalt  }
0x54: {  	_ =	shalt  }
0x55: {  	_ =	shalt  }
0x56: {  	_ =	shalt  }
0x57: {  	_ =	shalt  }
0x58: {  	_ =	shalt  }
0x59: {  	_ =	shalt  }
0x5a: {  	_ =	shalt  }
0x5b: {  	_ =	shalt  }
0x5c: {  	_ =	shalt  }
0x5d: {  	_ =	shalt  }
0x5e: {  	_ =	shalt  }
0x5f: {  	_ =	shalt  }
0x60: {  	_ =	shalt  }
0x61: {  	_ =	shalt  }
0x62: {  	_ =	shalt  }
0x63: {  	_ =	shalt  }
0x64: {  	_ =	shalt  }
0x65: {  	_ =	shalt  }
0x66: {  	_ =	shalt  }
0x67: {  	_ =	shalt  }
0x68: {  	_ =	shalt  }
0x69: {  	_ =	shalt  }
0x6a: {  	_ =	shalt  }
0x6b: {  	_ =	shalt  }
0x6c: {  	_ =	shalt  }
0x6d: {  	_ =	shalt  }
0x6e: {  	_ =	shalt  }
0x6f: {  	_ =	shalt  }
0x70: {  	_ =	shalt  }
0x71: {  	_ =	shalt  }
0x72: {  	_ =	shalt  }
0x73: {  	_ =	shalt  }
0x74: {  	_ =	shalt  }
0x75: {  	_ =	shalt  }
0x76: {  	_ =	shalt  }
0x77: {  	_ =	shalt  }
0x78: {  	_ =	shalt  }
0x79: {  	_ =	shalt  }
0x7a: {  	_ =	shalt  }
0x7b: {  	_ =	shalt  }
0x7c: {  	_ =	shalt  }
0x7d: {  	_ =	shalt  }
0x7e: {  	_ =	shalt  }
0x7f: {  	_ =	shalt  }
0x80: {  	_ =	shalt  }
0x81: {  	_ =	shalt  }
0x82: {  	_ =	shalt  }
0x83: {  	_ =	shalt  }
0x84: {  	_ =	shalt  }
0x85: {  	_ =	shalt  }
0x86: {  	_ =	shalt  }
0x87: {  	_ =	shalt  }
.Lfunc_end0:
.L_simem_size_0:
called_computation_lowered:
.L_overlay_start_0:
0x88: {  	s2 =	sld [smem:$0x3FD9]  }
0x89: {  	s3 =	sld [smem:$0x3FFE];
	_ =	sdelay $0x1  }
0x8a: {  	s1 =	srdreg.scid  }
0x8b: {  	s0 =	sand.u32 $0x1, s1  }
0x8c: {  	s17 =	sshll.u32 s0, $0xA;
	s2 =	sadd.s32 s3, s2  }
0x8d: {  	s2 =	sadd.s32 s2, s17  }
0x8e: {  	[smem:$0x3FC6] =	sst s2  }
0x8f: {  	_ = 	snop  }
0x90: {  	s2 =	sld [smem:$0x3FC9]  }
0x91: {  	s18 =	sld [smem:$0x3FC8];
	(tm) =	ssettm $0x1  }
0x92: {  	s4 =	sld [smem:$0x3FFB];
	_ =	sdelay $0x3  }
0x93: {  	_ =	strace s4  }
0x94: {  	s4 =	sld [smem:$0x3FFC];
	_ =	sdelay $0x3  }
0x95: {  	_ =	strace s4  }
0x96: {  	s4 =	sld [smem:$0x3FFD];
	_ =	sdelay $0x3  }
0x97: {  	_ =	strace s4  }
0x98: {  	_ =	strace $0x8FFFFFFF  }
0x99: {  	s19 =	sld [smem:$0x3FDB];
	_ =	sdelay $0x1  }
0x9a: {  	s5 =	simm.s32 $_scs_section_size  }
0x9b: {  	s6 =	simm.s32 $_size__tile_overlayer_lowered;
	s7 =	simm.s32 $_tile_overlayer_lowered  }
0x9c: {  	s22 =	simm.s32 $0x1BFF;
	s21 =	sshll.u32 s7, $0x1;
	s4 =	sadd.s32 s5, s19  }
0x9d: {  	s8 =	simm.s32 $0x0;
	s20 =	sshll.u32 s6, $0x1;
	s6 =	sadd.s32 s21, s4  }
0x9e: {  	[timem:s8], [sflag:s22] =	dma.local [hbm:s6], s20  }
0x9f: {  	_ =	swait.ge [sflag:s22], s20  }
0xa0: {  	s5 =	ssub.s32 $0x0, s20;
	[sflag:s22] =	ssyncset.done $0x0  }
0xa1: {  	[sflag:s22] =	ssyncadd.s32 s5;
	_ =	sdelay $0x1  }
0xa2: {  	s23 =	simm.s32 $0x1B8B  }
0xa3: {  	_ =	swait.ge [sflag:s23], $0x1  }
0xa4: {  	[sflag:s23] =	ssyncset.done $0x0  }
0xa5: {  	s25 =	simm.s32 $0x1B8E;
	s24 =	sld [smem:$0x3FFE];
	[sflag:s23] =	ssyncadd.s32 $0xFFFFFFFF  }
0xa6: {  	s26 =	simm.s32 $execute0_lowered;
	[smem:$0x3FD2] =	sst s25  }
0xa7: {  	s6 =	sshll.u32 s26, $0x1;
	_ =	strace $0x80000046;
	[dreg:$0x1] =	wrdreg $0xFFFFFFFF  }
0xa8: {  	s28 =	simm.s32 $_size_execute0_lowered;
	s4 =	sadd.s32 s4, s6;
	[dreg:$0x0] =	wrdreg $0x0  }
0xa9: {  	s6 =	sshll.u32 s28, $0x1;
	[dreg:$0x2] =	wrdreg s4  }
0xaa: {  	[dreg:$0x3] =	wrdreg s6  }
0xab: {  	[dreg:$0x4] =	wrdreg $0xC0  }
0xac: {  	_ =	task [dreg:s8], $0x5FFFF  }
0xad: {  	[dreg:$0x1] =	wrdreg $0xFFFFFFFF  }
0xae: {  	[dreg:$0x0] =	wrdreg $0x60  }
0xaf: {  	[dreg:$0x2] =	wrdreg s2  }
0xb0: {  	[dreg:$0x3] =	wrdreg s18  }
0xb1: {  	[dreg:$0x4] =	wrdreg s24  }
0xb2: {  	[dreg:$0x5] =	wrdreg $0x9  }
0xb3: {  	_ =	task.clear_ibuf [dreg:s8], $0x6FFFF;
	_ =	strace $0x90000046  }
0xb4: {  	s29 =	simm.s32 $0x9;
	_ =	strace $0x80000048  }
0xb5: {  	_ =	swait.ge [sflag:s29], $0x1  }
0xb6: {  	[sflag:s29] =	ssyncadd.s32 $0xFFFFFFFF  }
0xb7: {  	_ =	strace $0x90000048  }
0xb8: {  	_ =	sfence  }
0xb9: {  	s30 =	sld [smem:$0x0];
	_ =	sdelay $0x2  }
0xba: {  	s31 =	sshll.u32 s1, $0xD;
	s1 =	sshrl.u32 s1, $0x2  }
0xbb: {  	s3 =	sand.u32 $0x4000, s31;
	s1 =	sadd.s32 s1, s30  }
0xbc: {  	s0 =	sor.u32 s3, s0;
	s1 =	sshll.u32 s1, $0x11  }
0xbd: {  	s0 =	sor.u32 s1, s0  }
0xbe: {  	s0 =	sadd.s32 $0x8F2B, s0  }
0xbf: {  	[sflag:s0] =	ssyncadd.remote.s32 $0x1  }
0xc0: {  	_ =	sfence.sel $0xFFFF  }
0xc1: {  	[dreg:$0x0] =	wrdreg $0xFFFFFFFF;
	(pc) =	sbr.abs _section_cstart, $3  }
0xc2: {  	[dreg:$0x1] =	wrdreg $0xFFFFFFFF  }
0xc3: {  	_ =	task.clear_ibuf [dreg:s8], $0x2FFFF;
	_ =	strace $0x9FFFFFFF  }
0xc4: {  	(tm) =	ssettm $0x7FFFFFFF  }
0xc5: {  	_ =	shalt  }
tec
execute0_lowered:
.L_overlay_start_1:
0x0: {  	(tag) =	ssettag $0x1  }
0x1: {  	v0 =	vimm.f32 $3.000000000e+00;
	vm0 =	vcmask $0x300  }
0x2: {  	vm5 =	vcmask $0x704;
	v0 =	vsel vm0, $0x0, v0  }
0x3: {  	vm6 =	vcmask $0xB08;
	v0 =	vsel vm5, $0x3F800000, v0  }
0x4: {  	vm7 =	vcmask $0x1310;
	v0 =	vsel vm6, $0x40000000, v0  }
0x5: {  	vm8 =	vcmask $0x1714;
	v0 =	vsel vm7, $0x0, v0  }
0x6: {  	vm9 =	vcmask $0x1B18;
	v0 =	vsel vm8, $0x3F800000, v0  }
0x7: {  	vm10 =	vcmask $0x2320;
	v0 =	vsel vm9, $0x40000000, v0  }
0x8: {  	vm11 =	vcmask $0x2724;
	v0 =	vsel vm10, $0x0, v0  }
0x9: {  	vm12 =	vcmask $0x2B28;
	v0 =	vsel vm11, $0x3F800000, v0  }
0xa: {  	vm13 =	vcmask $0x3330;
	v0 =	vsel vm12, $0x40000000, v0  }
0xb: {  	vm14 =	vcmask $0x3734;
	v1 =	vlaneseq.u32;
	v0 =	vsel vm13, $0x0, v0  }
0xc: {  	v2 =	vsel vm14, $0x3F800000, v0;
	v0 =	vmul.u32 $0x4, v1;
	_ =	sdelay $0x1  }
0xd: {  	v4 =	vor.u32 $0x1, v0  }
0xe: {  	[tilespmem:$0x1FDC0] =	vst v4;
	v4 =	vor.u32 $0x2, v0  }
0xf: {  	[tilespmem:$0x1FDD0] =	vst v4;
	v4 =	vor.u32 $0x3, v0  }
0x10: {  	[tilespmem:$0x1FDE0] =	vst v4;
	v4 =	vor.u32 $0x40, v0  }
0x11: {  	[tilespmem:$0x1FDF0] =	vst v4;
	v4 =	vor.u32 $0x41, v0  }
0x12: {  	[tilespmem:$0x1FE00] =	vst v4;
	v4 =	vor.u32 $0x42, v0  }
0x13: {  	[tilespmem:$0x1FE10] =	vst v4;
	v4 =	vor.u32 $0x43, v0  }
0x14: {  	[tilespmem:$0x1FE20] =	vst v4;
	v4 =	vor.u32 $0x80, v0  }
0x15: {  	[tilespmem:$0x1FE30] =	vst v4;
	v4 =	vor.u32 $0x81, v0  }
0x16: {  	[tilespmem:$0x1FE40] =	vst v4;
	v4 =	vor.u32 $0x82, v0  }
0x17: {  	[tilespmem:$0x1FE50] =	vst v4;
	v4 =	vor.u32 $0x83, v0  }
0x18: {  	[tilespmem:$0x1FE60] =	vst v4;
	v4 =	vor.u32 $0xC0, v0  }
0x19: {  	[tilespmem:$0x1FE70] =	vst v4;
	v4 =	vor.u32 $0xC1, v0  }
0x1a: {  	[tilespmem:$0x1FE80] =	vst v4;
	v4 =	vor.u32 $0xC2, v0  }
0x1b: {  	[tilespmem:$0x1FE90] =	vst v4;
	v4 =	vor.u32 $0xC3, v0  }
0x1c: {  	[tilespmem:$0x1FEA0] =	vst v4;
	v4 =	vor.u32 $0x100, v0  }
0x1d: {  	[tilespmem:$0x1FEB0] =	vst v4;
	v4 =	vor.u32 $0x101, v0  }
0x1e: {  	[tilespmem:$0x1FEC0] =	vst v4;
	v4 =	vor.u32 $0x102, v0  }
0x1f: {  	[tilespmem:$0x1FED0] =	vst v4;
	v4 =	vor.u32 $0x103, v0  }
0x20: {  	[tilespmem:$0x1FEE0] =	vst v4;
	v4 =	vor.u32 $0x140, v0  }
0x21: {  	[tilespmem:$0x1FEF0] =	vst v4;
	v4 =	vor.u32 $0x141, v0  }
0x22: {  	[tilespmem:$0x1FF00] =	vst v4;
	v4 =	vor.u32 $0x142, v0  }
0x23: {  	[tilespmem:$0x1FF10] =	vst v4;
	v4 =	vor.u32 $0x143, v0  }
0x24: {  	[tilespmem:$0x1FF20] =	vst v4;
	v4 =	vor.u32 $0x180, v0  }
0x25: {  	s5 =	rddreg [dreg:$0x0];
	[tilespmem:$0x1FF30] =	vst v4;
	v4 =	vor.u32 $0x181, v0  }
0x26: {  	vm15 =	vcmask $0x3B38;
	v3 =	vimm.f32 $1.000000000e+00;
	s6 =	rddreg [dreg:$0x1];
	[tilespmem:$0x1FF40] =	vst v4;
	v4 =	vor.u32 $0x182, v0  }
0x27: {  	s3 =	rddreg [dreg:$0x2];
	v1 =	vimm.f32 $0.0e+00;
	v2 =	vsel vm15, $0x40000000, v2;
	[tilespmem:$0x1FF50] =	vst v4;
	v4 =	vor.u32 $0x183, v0  }
0x28: {  	s0 =	rddreg [dreg:$0x3];
	v40 =	vor.u32 $0x241, v0;
	v41 =	vor.u32 $0x242, v0;
	[tilespmem:$0x1FF60] =	vst v4;
	v4 =	vor.u32 $0x1C0, v0  }
0x29: {  	s2 =	simm.s32 $0x0;
	s4 =	srdreg.scid;
	s1 =	stileid.u32;
	v42 =	vor.u32 $0x243, v0;
	v43 =	vor.u32 $0x280, v0;
	[tilespmem:$0x1FF70] =	vst v4;
	v4 =	vor.u32 $0x1C1, v0  }
0x2a: {  	s11 =	simm.s32 $0xC000;
	s12 =	simm.s32 $0x1;
	s13 =	simm.s32 $0x10000;
	v44 =	vor.u32 $0x281, v0;
	v45 =	vor.u32 $0x282, v0;
	[tilespmem:$0x1FF80] =	vst v4;
	v4 =	vor.u32 $0x1C2, v0  }
0x2b: {  	s14 =	simm.s32 $0x2;
	s15 =	simm.s32 $0x10400;
	s16 =	simm.s32 $0x3;
	v46 =	vor.u32 $0x283, v0;
	v47 =	vor.u32 $0x2C0, v0;
	[tilespmem:$0x1FF90] =	vst v4;
	v4 =	vor.u32 $0x1C3, v0  }
0x2c: {  	s17 =	simm.s32 $0x0;
	s4 =	sand.u32 $0x1, s4;
	s7 =	sshll.u32 s1, $0x1;
	v48 =	vor.u32 $0x2C1, v0;
	v49 =	vor.u32 $0x2C2, v0;
	[tilespmem:$0x1FFA0] =	vst v4;
	v4 =	vor.u32 $0x200, v0  }
0x2d: {  	[smem:$0x7FF] =	sst s2;
	s7 =	sor.u32 s4, s7;
	s4 =	ssub.s32 $0x2, s4;
	v50 =	vor.u32 $0x2C3, v0;
	v51 =	vor.u32 $0x300, v0;
	[tilespmem:$0x1FFB0] =	vst v4;
	v4 =	vor.u32 $0x201, v0  }
0x2e: {  	s8 =	sshll.u32 s7, $0x8;
	s9 =	sshrl.u32 s4, $0x1;
	s7 =	sshll.u32 s7, $0xC;
	v52 =	vor.u32 $0x301, v0;
	v53 =	vor.u32 $0x302, v0;
	[tilespmem:$0x1FFC0] =	vst v4;
	v4 =	vor.u32 $0x202, v0  }
0x2f: {  	s8 =	sadd.s32 s8, s3;
	s9 =	ssub.s32 s4, s9;
	s10 =	sor.u32 $0x800, s7;
	v54 =	vor.u32 $0x303, v0;
	v55 =	vor.u32 $0x340, v0;
	[tilespmem:$0x1FFD0] =	vst v4;
	v4 =	vor.u32 $0x203, v0  }
0x30: {  	s3 =	sadd.s32 s5, s7;
	s4 =	sadd.s32 s6, s7;
	s5 =	sadd.s32 s5, s10;
	v56 =	vor.u32 $0x341, v0;
	v57 =	vor.u32 $0x342, v0;
	[tilespmem:$0x1FFE0] =	vst v4;
	v4 =	vor.u32 $0x240, v0  }
0x31: {  	s6 =	sadd.s32 s6, s10;
	s7 =	sadd.s32 $0x600, s8;
	s8 =	smax.u32 s9, $0x1;
	v58 =	vor.u32 $0x343, v0;
	v59 =	vor.u32 $0x380, v0;
	v60 =	vor.u32 $0x381, v0;
	[tilespmem:$0x1FFF0] =	vst v4  }
0x32: {  	s9 =	simm.s32 $0x8000;
	s10 =	simm.s32 $0x4000;
	v61 =	vor.u32 $0x382, v0;
	v62 =	vor.u32 $0x383, v0;
	v63 =	vor.u32 $0x3C0, v0;
	_ =	strace $0x80000047  }
.LBB2_1:
0x33: {  	[tilespmem:s2], [sflag:$0x1] =	stream.linear.gather [hbm4b:s3+s2], $0x4000, $0x38;
	[tilespmem:$0x10C00] =	vst v63  }
0x34: {  	_ = 	snop  }
0x35: {  	[tilespmem:s9], [sflag:$0x1] =	stream.linear.gather [hbm4b:s4+s2], $0x4000, $0x38;
	[tilespmem:$0x10C00] =	vst v63  }
0x36: {  	_ = 	snop  }
0x37: {  	[tilespmem:s10], [sflag:$0x2] =	stream.linear.gather [hbm4b:s5+s2], $0x4000, $0x38;
	[tilespmem:$0x10C00] =	vst v63  }
0x38: {  	_ = 	snop  }
0x39: {  	[tilespmem:s11], [sflag:$0x2] =	stream.linear.gather [hbm4b:s6+s2], $0x4000, $0x38;
	[tilespmem:$0x10C00] =	vst v63  }
0x3a: {  	[tilespmem:$0x10000] =	vst v1  }
0x3b: {  	[tilespmem:$0x10010] =	vst v1  }
0x3c: {  	[tilespmem:$0x10020] =	vst v1  }
0x3d: {  	[tilespmem:$0x10030] =	vst v1  }
0x3e: {  	[tilespmem:$0x10040] =	vst v1  }
0x3f: {  	[tilespmem:$0x10050] =	vst v1  }
0x40: {  	[tilespmem:$0x10060] =	vst v1  }
0x41: {  	[tilespmem:$0x10070] =	vst v1  }
0x42: {  	[tilespmem:$0x10080] =	vst v1  }
0x43: {  	[tilespmem:$0x10090] =	vst v1  }
0x44: {  	[tilespmem:$0x100A0] =	vst v1  }
0x45: {  	[tilespmem:$0x100B0] =	vst v1  }
0x46: {  	[tilespmem:$0x100C0] =	vst v1  }
0x47: {  	[tilespmem:$0x100D0] =	vst v1  }
0x48: {  	[tilespmem:$0x100E0] =	vst v1  }
0x49: {  	[tilespmem:$0x100F0] =	vst v1  }
0x4a: {  	[tilespmem:$0x10100] =	vst v1  }
0x4b: {  	[tilespmem:$0x10110] =	vst v1  }
0x4c: {  	[tilespmem:$0x10120] =	vst v1  }
0x4d: {  	[tilespmem:$0x10130] =	vst v1  }
0x4e: {  	[tilespmem:$0x10140] =	vst v1  }
0x4f: {  	[tilespmem:$0x10150] =	vst v1  }
0x50: {  	[tilespmem:$0x10160] =	vst v1  }
0x51: {  	[tilespmem:$0x10170] =	vst v1  }
0x52: {  	[tilespmem:$0x10180] =	vst v1  }
0x53: {  	[tilespmem:$0x10190] =	vst v1  }
0x54: {  	[tilespmem:$0x101A0] =	vst v1  }
0x55: {  	[tilespmem:$0x101B0] =	vst v1  }
0x56: {  	[tilespmem:$0x101C0] =	vst v1  }
0x57: {  	[tilespmem:$0x101D0] =	vst v1  }
0x58: {  	[tilespmem:$0x101E0] =	vst v1  }
0x59: {  	[tilespmem:$0x101F0] =	vst v1  }
0x5a: {  	[tilespmem:$0x10200] =	vst v1  }
0x5b: {  	[tilespmem:$0x10210] =	vst v1  }
0x5c: {  	[tilespmem:$0x10220] =	vst v1  }
0x5d: {  	[tilespmem:$0x10230] =	vst v1  }
0x5e: {  	[tilespmem:$0x10240] =	vst v1  }
0x5f: {  	[tilespmem:$0x10250] =	vst v1  }
0x60: {  	[tilespmem:$0x10260] =	vst v1  }
0x61: {  	[tilespmem:$0x10270] =	vst v1  }
0x62: {  	[tilespmem:$0x10280] =	vst v1  }
0x63: {  	[tilespmem:$0x10290] =	vst v1  }
0x64: {  	[tilespmem:$0x102A0] =	vst v1  }
0x65: {  	[tilespmem:$0x102B0] =	vst v1  }
0x66: {  	[tilespmem:$0x102C0] =	vst v1  }
0x67: {  	[tilespmem:$0x102D0] =	vst v1  }
0x68: {  	[tilespmem:$0x102E0] =	vst v1  }
0x69: {  	[tilespmem:$0x102F0] =	vst v1  }
0x6a: {  	[tilespmem:$0x10300] =	vst v1  }
0x6b: {  	[tilespmem:$0x10310] =	vst v1  }
0x6c: {  	[tilespmem:$0x10320] =	vst v1  }
0x6d: {  	[tilespmem:$0x10330] =	vst v1  }
0x6e: {  	[tilespmem:$0x10340] =	vst v1  }
0x6f: {  	[tilespmem:$0x10350] =	vst v1  }
0x70: {  	[tilespmem:$0x10360] =	vst v1  }
0x71: {  	[tilespmem:$0x10370] =	vst v1  }
0x72: {  	[tilespmem:$0x10380] =	vst v1  }
0x73: {  	[tilespmem:$0x10390] =	vst v1  }
0x74: {  	[tilespmem:$0x103A0] =	vst v1  }
0x75: {  	[tilespmem:$0x103B0] =	vst v1  }
0x76: {  	[tilespmem:$0x103C0] =	vst v1  }
0x77: {  	[tilespmem:$0x103D0] =	vst v1  }
0x78: {  	[tilespmem:$0x103E0] =	vst v1  }
0x79: {  	[tilespmem:$0x103F0] =	vst v1  }
0x7a: {  	_ =	swait.ge [sflag:s12], $0x4000  }
0x7b: {  	[sflag:s12] =	ssyncset.done $0x0  }
0x7c: {  	s18 =	simm.s32 $0x0;
	[sflag:s12] =	ssyncadd.s32 $0xFFFFC000  }
0x7d: {  	s19 =	sand.u32 $0x1800, s2;
	s18 =	sand.u32 $0x2000, s18;
	_ =	swait.ge [sflag:s12], $0x4000  }
0x7e: {  	s30 =	sand.u32 $0x380, s2;
	s18 =	sor.u32 s18, s19;
	[sflag:s12] =	ssyncset.done $0x0  }
0x7f: {  	s18 =	sor.u32 s30, s18;
	[sflag:s12] =	ssyncadd.s32 $0xFFFFC000  }
0x80: {  	v4 =	vld [tilespmem:s18+$0x470]  }
0x81: {  	v5 =	vld [tilespmem:s18+$0x0]  }
0x82: {  	v6 =	vld [tilespmem:s18+$0x8470]  }
0x83: {  	v7 =	vld [tilespmem:s18+$0x10]  }
0x84: {  	v8 =	vld [tilespmem:s18+$0x20]  }
0x85: {  	v9 =	vld [tilespmem:s18+$0x30]  }
0x86: {  	v10 =	vld [tilespmem:s18+$0x40]  }
0x87: {  	v11 =	vld [tilespmem:s18+$0x50]  }
0x88: {  	v12 =	vld [tilespmem:s18+$0x60]  }
0x89: {  	v13 =	vld [tilespmem:s18+$0x70]  }
0x8a: {  	v14 =	vld [tilespmem:s18+$0x400]  }
0x8b: {  	v15 =	vld [tilespmem:s18+$0x410]  }
0x8c: {  	v16 =	vld [tilespmem:s18+$0x420]  }
0x8d: {  	v17 =	vld [tilespmem:s18+$0x430]  }
0x8e: {  	v18 =	vld [tilespmem:s18+$0x450]  }
0x8f: {  	v19 =	vld [tilespmem:s18+$0x460]  }
0x90: {  	v20 =	vld [tilespmem:s18+$0x8000]  }
0x91: {  	v21 =	vld [tilespmem:s18+$0x8010];
	v4 =	vmul.f32 $1.600000000e+01, v4;
	v5 =	vmul.f32 $1.600000000e+01, v5  }
0x92: {  	v22 =	vld [tilespmem:s18+$0x8020];
	v7 =	vmul.f32 $1.600000000e+01, v7;
	v8 =	vmul.f32 $1.600000000e+01, v8  }
0x93: {  	v23 =	vld [tilespmem:s18+$0x8030];
	v9 =	vmul.f32 $1.600000000e+01, v9;
	v10 =	vmul.f32 $1.600000000e+01, v10  }
0x94: {  	v24 =	vld [tilespmem:s18+$0x8040];
	v11 =	vmul.f32 $1.600000000e+01, v11;
	v12 =	vmul.f32 $1.600000000e+01, v12  }
0x95: {  	v32 =	vld [tilespmem:s18+$0x8460];
	v13 =	vmul.f32 $1.600000000e+01, v13;
	v14 =	vmul.f32 $1.600000000e+01, v14  }
0x96: {  	v15 =	vmul.f32 $1.600000000e+01, v15;
	v16 =	vmul.f32 $1.600000000e+01, v16;
	v4 =	vadd.f32 v6, v4;
	v6 =	vld [tilespmem:s18+$0x440]  }
0x97: {  	v17 =	vmul.f32 $1.600000000e+01, v17;
	v18 =	vmul.f32 $1.600000000e+01, v18;
	v5 =	vadd.f32 v20, v5;
	v20 =	vld [tilespmem:s18+$0x8050]  }
0x98: {  	v19 =	vmul.f32 $1.600000000e+01, v19;
	v7 =	vadd.f32 v21, v7;
	v21 =	vld [tilespmem:s18+$0x8060];
	v8 =	vadd.f32 v22, v8  }
0x99: {  	v22 =	vld [tilespmem:s18+$0x8070];
	v9 =	vadd.f32 v23, v9;
	v4 =	vmul.f32 $4.000000000e+00, v4;
	v5 =	vmul.f32 $4.000000000e+00, v5  }
0x9a: {  	v23 =	vld [tilespmem:s18+$0x8400];
	v10 =	vadd.f32 v24, v10;
	v19 =	vadd.f32 v32, v19;
	v7 =	vmul.f32 $4.000000000e+00, v7  }
0x9b: {  	v31 =	vld [tilespmem:s18+$0x8410];
	v8 =	vmul.f32 $4.000000000e+00, v8;
	v4 =	vadd.f32 v2, v4;
	v5 =	vadd.f32 v2, v5  }
0x9c: {  	v9 =	vmul.f32 $4.000000000e+00, v9;
	v7 =	vadd.f32 v2, v7;
	v11 =	vadd.f32 v20, v11;
	v20 =	vld [tilespmem:s18+$0x8420]  }
0x9d: {  	v10 =	vmul.f32 $4.000000000e+00, v10;
	v8 =	vadd.f32 v2, v8;
	v12 =	vadd.f32 v21, v12;
	v21 =	vld [tilespmem:s18+$0x8430]  }
0x9e: {  	v19 =	vmul.f32 $4.000000000e+00, v19;
	v9 =	vadd.f32 v2, v9;
	v13 =	vadd.f32 v22, v13;
	v22 =	vld [tilespmem:s18+$0x8440]  }
0x9f: {  	s19 =	simm.s32 $0x800;
	v6 =	vmul.f32 $1.600000000e+01, v6;
	v14 =	vadd.f32 v23, v14;
	v23 =	vld [tilespmem:s18+$0x8450];
	s18 =	simm.s32 $0x100;
	v4 =	vtrunc.f32 v4  }
0xa0: {  	s20 =	simm.s32 $0x20;
	s22 =	sand.u32 $0x1800, s19;
	v10 =	vadd.f32 v2, v10;
	s21 =	sand.u32 $0x2000, s18;
	v5 =	vtrunc.f32 v5;
	v7 =	vtrunc.f32 v7  }
0xa1: {  	s31 =	sand.u32 $0x380, s20;
	v19 =	vadd.f32 v2, v19;
	v8 =	vtrunc.f32 v8;
	v9 =	vtrunc.f32 v9;
	s21 =	sor.u32 s21, s22  }
0xa2: {  	v10 =	vtrunc.f32 v10;
	v4 =	vcvt.f32.s32 v4;
	s21 =	sor.u32 s31, s21  }
0xa3: {  	v19 =	vtrunc.f32 v19;
	v11 =	vmul.f32 $4.000000000e+00, v11;
	v24 =	vld [tilespmem:s21+$0x30]  }
0xa4: {  	v12 =	vmul.f32 $4.000000000e+00, v12;
	v13 =	vmul.f32 $4.000000000e+00, v13;
	v25 =	vld [tilespmem:s21+$0x40]  }
0xa5: {  	v15 =	vadd.f32 v31, v15;
	v14 =	vmul.f32 $4.000000000e+00, v14;
	v28 =	vcvt.f32.s32 v5;
	v26 =	vld [tilespmem:s21+$0x50]  }
0xa6: {  	v30 =	vcvt.f32.s32 v7;
	v8 =	vcvt.f32.s32 v8;
	v11 =	vadd.f32 v2, v11;
	v27 =	vld [tilespmem:s21+$0x70]  }
0xa7: {  	v9 =	vcvt.f32.s32 v9;
	v29 =	vld [tilespmem:s21+$0x400];
	v16 =	vadd.f32 v20, v16;
	v17 =	vadd.f32 v21, v17  }
0xa8: {  	v12 =	vadd.f32 v2, v12;
	v13 =	vadd.f32 v2, v13;
	[tilespmem:v4+s13+$0x0] =	vst.idx.add.f32.msk $0xffff, v3;
	v4 =	vmul.f32 $4.000000000e+00, v15  }
0xa9: {  	v15 =	vmul.f32 $4.000000000e+00, v16;
	v16 =	vmul.f32 $4.000000000e+00, v17;
	v17 =	vadd.f32 v23, v18;
	v18 =	vld [tilespmem:s21+$0x470]  }
0xaa: {  	v10 =	vcvt.f32.s32 v10;
	v14 =	vadd.f32 v2, v14;
	v6 =	vadd.f32 v22, v6;
	v22 =	vld [tilespmem:s21+$0x10]  }
0xab: {  	v11 =	vtrunc.f32 v11;
	v12 =	vtrunc.f32 v12;
	v23 =	vld [tilespmem:s21+$0x20];
	v4 =	vadd.f32 v2, v4  }
0xac: {  	v21 =	vld [tilespmem:s21+$0x8470];
	v13 =	vtrunc.f32 v13;
	v14 =	vtrunc.f32 v14  }
0xad: {  	v31 =	vld [tilespmem:s21+$0x410];
	v35 =	vcvt.f32.s32 v13;
	v4 =	vtrunc.f32 v4  }
0xae: {  	v32 =	vld [tilespmem:s21+$0x430];
	v18 =	vmul.f32 $1.600000000e+01, v18;
	v37 =	vcvt.f32.s32 v4  }
0xaf: {  	v33 =	vld [tilespmem:s21+$0x440];
	v4 =	vcvt.f32.s32 v19;
	v19 =	vmul.f32 $1.600000000e+01, v22  }
0xb0: {  	v20 =	vld [tilespmem:s21+$0x0];
	v15 =	vadd.f32 v2, v15;
	v22 =	vmul.f32 $1.600000000e+01, v23;
	v23 =	vmul.f32 $1.600000000e+01, v24  }
0xb1: {  	v24 =	vmul.f32 $1.600000000e+01, v25;
	v25 =	vmul.f32 $1.600000000e+01, v26;
	v26 =	vld [tilespmem:s21+$0x8030];
	v18 =	vadd.f32 v21, v18  }
0xb2: {  	v36 =	vcvt.f32.s32 v14;
	v13 =	vld [tilespmem:s21+$0x450];
	v17 =	vmul.f32 $4.000000000e+00, v17;
	v16 =	vadd.f32 v2, v16  }
0xb3: {  	v14 =	vld [tilespmem:s21+$0x460];
	v15 =	vtrunc.f32 v15;
	v18 =	vmul.f32 $4.000000000e+00, v18  }
0xb4: {  	v16 =	vtrunc.f32 v16;
	v38 =	vcvt.f32.s32 v15;
	v15 =	vld [tilespmem:s21+$0x8000]  }
0xb5: {  	v6 =	vmul.f32 $4.000000000e+00, v6;
	v7 =	vcvt.f32.s32 v16;
	v16 =	vld [tilespmem:s21+$0x8010];
	v5 =	vadd.f32 v2, v18  }
0xb6: {  	v11 =	vcvt.f32.s32 v11;
	v17 =	vadd.f32 v2, v17;
	v23 =	vadd.f32 v26, v23;
	v26 =	vld [tilespmem:s21+$0x8400]  }
0xb7: {  	v29 =	vmul.f32 $1.600000000e+01, v29;
	v21 =	vld [tilespmem:s21+$0x60];
	v5 =	vtrunc.f32 v5  }
0xb8: {  	v17 =	vtrunc.f32 v17;
	v18 =	vld [tilespmem:s21+$0x420];
	v34 =	vcvt.f32.s32 v5  }
0xb9: {  	v5 =	vcvt.f32.s32 v17;
	v17 =	vmul.f32 $1.600000000e+01, v20;
	v20 =	vld [tilespmem:s21+$0x8020]  }
0xba: {  	v12 =	vcvt.f32.s32 v12;
	v16 =	vadd.f32 v16, v19;
	v19 =	vmul.f32 $1.600000000e+01, v33;
	v33 =	vld [tilespmem:s21+$0x8410]  }
0xbb: {  	v6 =	vadd.f32 v2, v6;
	v27 =	vmul.f32 $1.600000000e+01, v27;
	v26 =	vadd.f32 v26, v29;
	v29 =	vld [tilespmem:s21+$0x8450]  }
0xbc: {  	v31 =	vmul.f32 $1.600000000e+01, v31;
	v32 =	vmul.f32 $1.600000000e+01, v32;
	v15 =	vadd.f32 v15, v17;
	v17 =	vld [tilespmem:s21+$0x8050]  }
0xbd: {  	v6 =	vtrunc.f32 v6;
	v39 =	vmul.f32 $1.600000000e+01, v18;
	v18 =	vld [tilespmem:s21+$0x8060]  }
0xbe: {  	v6 =	vcvt.f32.s32 v6;
	v16 =	vmul.f32 $4.000000000e+00, v16;
	v20 =	vadd.f32 v20, v22;
	v22 =	vld [tilespmem:s21+$0x8070]  }
0xbf: {  	v13 =	vmul.f32 $1.600000000e+01, v13;
	v14 =	vmul.f32 $1.600000000e+01, v14;
	[tilespmem:v34+s13+$0x0] =	vst.idx.add.f32.msk $0xffff, v3  }
0xc0: {  	v21 =	vmul.f32 $1.600000000e+01, v21;
	v23 =	vmul.f32 $4.000000000e+00, v23;
	v16 =	vadd.f32 v2, v16;
	v34 =	vld [tilespmem:s21+$0x8040]  }
0xc1: {  	v15 =	vmul.f32 $4.000000000e+00, v15;
	v13 =	vadd.f32 v29, v13;
	v17 =	vadd.f32 v17, v25;
	v25 =	vld [tilespmem:s21+$0x8420]  }
0xc2: {  	v23 =	vadd.f32 v2, v23;
	v20 =	vmul.f32 $4.000000000e+00, v20;
	v18 =	vadd.f32 v18, v21;
	v21 =	vld [tilespmem:s21+$0x8430]  }
0xc3: {  	[tilespmem:v10+s13+$0x0] =	vst.idx.add.f32.msk $0xffff, v3;
	v31 =	vadd.f32 v33, v31;
	v15 =	vadd.f32 v2, v15;
	v10 =	vmul.f32 $4.000000000e+00, v13  }
0xc4: {  	v20 =	vadd.f32 v2, v20;
	v17 =	vmul.f32 $4.000000000e+00, v17;
	v22 =	vadd.f32 v22, v27  }
0xc5: {  	v33 =	vld [tilespmem:s21+$0x8460];
	v24 =	vadd.f32 v34, v24;
	v34 =	vmul.f32 $4.000000000e+00, v18;
	v18 =	vtrunc.f32 v15  }
0xc6: {  	v27 =	vld [tilespmem:s21+$0x8440];
	v17 =	vadd.f32 v2, v17;
	v15 =	vmul.f32 $4.000000000e+00, v26;
	v13 =	vtrunc.f32 v20  }
0xc7: {  	[tilespmem:v28+s13+$0x0] =	vst.idx.add.f32.msk $0xffff, v3;
	v22 =	vmul.f32 $4.000000000e+00, v22;
	v25 =	vadd.f32 v25, v39;
	v21 =	vadd.f32 v21, v32  }
0xc8: {  	[tilespmem:v8+s13+$0x0] =	vst.idx.add.f32.msk $0xffff, v3;
	v24 =	vmul.f32 $4.000000000e+00, v24;
	v34 =	vadd.f32 v2, v34;
	v8 =	vadd.f32 v2, v15  }
0xc9: {  	[tilespmem:v30+s13+$0x0] =	vst.idx.add.f32.msk $0xffff, v3;
	v26 =	vadd.f32 v2, v22;
	v22 =	vmul.f32 $4.000000000e+00, v31;
	v15 =	vmul.f32 $4.000000000e+00, v25  }
0xca: {  	[tilespmem:v9+s13+$0x0] =	vst.idx.add.f32.msk $0xffff, v3;
	v9 =	vmul.f32 $4.000000000e+00, v21;
	v21 =	vadd.f32 v33, v14;
	v14 =	vtrunc.f32 v16  }
0xcb: {  	[tilespmem:v11+s13+$0x0] =	vst.idx.add.f32.msk $0xffff, v3;
	v24 =	vadd.f32 v2, v24;
	v19 =	vadd.f32 v27, v19;
	v11 =	vtrunc.f32 v34  }
0xcc: {  	[tilespmem:v12+s13+$0x0] =	vst.idx.add.f32.msk $0xffff, v3;
	v33 =	vadd.f32 v2, v22;
	v39 =	vadd.f32 v2, v15;
	v20 =	vmul.f32 $4.000000000e+00, v21  }
0xcd: {  	[tilespmem:v35+s13+$0x0] =	vst.idx.add.f32.msk $0xffff, v3;
	v15 =	vadd.f32 v2, v9;
	v21 =	vtrunc.f32 v23;
	v19 =	vmul.f32 $4.000000000e+00, v19  }
0xce: {  	[tilespmem:v36+s13+$0x0] =	vst.idx.add.f32.msk $0xffff, v3;
	v22 =	vtrunc.f32 v17;
	v17 =	vadd.f32 v2, v10;
	v23 =	vtrunc.f32 v26  }
0xcf: {  	[tilespmem:v37+s13+$0x0] =	vst.idx.add.f32.msk $0xffff, v3;
	v10 =	vtrunc.f32 v8;
	v12 =	vtrunc.f32 v24;
	v16 =	vadd.f32 v2, v19  }
0xd0: {  	[tilespmem:v38+s13+$0x0] =	vst.idx.add.f32.msk $0xffff, v3;
	v9 =	vtrunc.f32 v33;
	v19 =	vadd.f32 v2, v20;
	v20 =	vtrunc.f32 v39  }
.LBB2_2:
0xd1: {  	s18 =	sadd.s32 $0x100, s18;
	v24 =	vtrunc.f32 v15;
	v25 =	vtrunc.f32 v16;
	s19 =	sadd.s32 $0x800, s19;
	[tilespmem:v7+s13+$0x0] =	vst.idx.add.f32.msk $0xffff, v3  }
0xd2: {  	v26 =	vtrunc.f32 v17;
	v27 =	vtrunc.f32 v19;
	s20 =	sadd.s32 $0x20, s20;
	s21 =	sand.u32 $0x2000, s18;
	s22 =	sand.u32 $0x1800, s19;
	[tilespmem:v6+s13+$0x0] =	vst.idx.add.f32.msk $0xffff, v3  }
0xd3: {  	v19 =	vcvt.f32.s32 v18;
	v17 =	vcvt.f32.s32 v14;
	p0 =	slt.u32 s18, $0x3F00;
	s21 =	sor.u32 s21, s22;
	s22 =	sand.u32 $0x380, s20;
	[tilespmem:v5+s13+$0x0] =	vst.idx.add.f32.msk $0xffff, v3  }
0xd4: {  	v16 =	vcvt.f32.s32 v13;
	v15 =	vcvt.f32.s32 v21;
	s21 =	sor.u32 s22, s21;
	[tilespmem:v4+s13+$0x0] =	vst.idx.add.f32.msk $0xffff, v3  }
0xd5: {  	v14 =	vcvt.f32.s32 v12;
	v13 =	vcvt.f32.s32 v22;
	v4 =	vld [tilespmem:s21+$0x470]  }
0xd6: {  	v12 =	vcvt.f32.s32 v11;
	v11 =	vcvt.f32.s32 v23;
	v18 =	vld [tilespmem:s21+$0x0]  }
0xd7: {  	v10 =	vcvt.f32.s32 v10;
	v9 =	vcvt.f32.s32 v9;
	v21 =	vld [tilespmem:s21+$0x8470]  }
0xd8: {  	v8 =	vcvt.f32.s32 v20;
	v7 =	vcvt.f32.s32 v24;
	v22 =	vld [tilespmem:s21+$0x10]  }
0xd9: {  	v6 =	vcvt.f32.s32 v25;
	v5 =	vcvt.f32.s32 v26;
	v20 =	vld [tilespmem:s21+$0x20]  }
0xda: {  	v23 =	vld [tilespmem:s21+$0x30];
	v24 =	vmul.f32 $1.600000000e+01, v4;
	v4 =	vcvt.f32.s32 v27  }
0xdb: {  	v18 =	vmul.f32 $1.600000000e+01, v18;
	v25 =	vld [tilespmem:s21+$0x40]  }
0xdc: {  	v26 =	vld [tilespmem:s21+$0x50];
	v21 =	vadd.f32 v21, v24  }
0xdd: {  	v22 =	vmul.f32 $1.600000000e+01, v22;
	v24 =	vld [tilespmem:s21+$0x60]  }
0xde: {  	v20 =	vmul.f32 $1.600000000e+01, v20;
	v27 =	vld [tilespmem:s21+$0x70];
	v21 =	vmul.f32 $4.000000000e+00, v21  }
0xdf: {  	v23 =	vmul.f32 $1.600000000e+01, v23;
	v28 =	vld [tilespmem:s21+$0x400]  }
0xe0: {  	v25 =	vmul.f32 $1.600000000e+01, v25;
	v29 =	vld [tilespmem:s21+$0x410];
	v21 =	vadd.f32 v2, v21  }
0xe1: {  	v26 =	vmul.f32 $1.600000000e+01, v26;
	v30 =	vld [tilespmem:s21+$0x420]  }
0xe2: {  	v24 =	vmul.f32 $1.600000000e+01, v24;
	v31 =	vld [tilespmem:s21+$0x430];
	v21 =	vtrunc.f32 v21  }
0xe3: {  	v27 =	vmul.f32 $1.600000000e+01, v27;
	v32 =	vld [tilespmem:s21+$0x440];
	v21 =	vcvt.f32.s32 v21  }
0xe4: {  	v28 =	vmul.f32 $1.600000000e+01, v28;
	v33 =	vld [tilespmem:s21+$0x450]  }
0xe5: {  	v29 =	vmul.f32 $1.600000000e+01, v29;
	v34 =	vld [tilespmem:s21+$0x460]  }
0xe6: {  	v35 =	vld [tilespmem:s21+$0x8000];
	v30 =	vmul.f32 $1.600000000e+01, v30  }
0xe7: {  	v36 =	vld [tilespmem:s21+$0x8010];
	v31 =	vmul.f32 $1.600000000e+01, v31  }
0xe8: {  	v37 =	vld [tilespmem:s21+$0x8020];
	v32 =	vmul.f32 $1.600000000e+01, v32  }
0xe9: {  	v33 =	vmul.f32 $1.600000000e+01, v33;
	[tilespmem:v21+s13+$0x0] =	vst.idx.add.f32.msk $0xffff, v3  }
0xea: {  	v21 =	vld [tilespmem:s21+$0x8030];
	v34 =	vmul.f32 $1.600000000e+01, v34  }
0xeb: {  	v18 =	vadd.f32 v35, v18;
	v35 =	vld [tilespmem:s21+$0x8040]  }
0xec: {  	v22 =	vadd.f32 v36, v22;
	v36 =	vld [tilespmem:s21+$0x8050]  }
0xed: {  	v18 =	vmul.f32 $4.000000000e+00, v18;
	v20 =	vadd.f32 v37, v20;
	v37 =	vld [tilespmem:s21+$0x8060]  }
0xee: {  	v22 =	vmul.f32 $4.000000000e+00, v22;
	v38 =	vld [tilespmem:s21+$0x8070]  }
0xef: {  	v18 =	vadd.f32 v2, v18;
	v20 =	vmul.f32 $4.000000000e+00, v20;
	v21 =	vadd.f32 v21, v23;
	v23 =	vld [tilespmem:s21+$0x8400]  }
0xf0: {  	v22 =	vadd.f32 v2, v22;
	v25 =	vadd.f32 v35, v25;
	v35 =	vld [tilespmem:s21+$0x8410]  }
0xf1: {  	v20 =	vadd.f32 v2, v20;
	v21 =	vmul.f32 $4.000000000e+00, v21;
	v26 =	vadd.f32 v36, v26;
	v36 =	vld [tilespmem:s21+$0x8420]  }
0xf2: {  	v18 =	vtrunc.f32 v18;
	v25 =	vmul.f32 $4.000000000e+00, v25;
	v24 =	vadd.f32 v37, v24;
	v37 =	vld [tilespmem:s21+$0x8430]  }
0xf3: {  	v21 =	vadd.f32 v2, v21;
	v26 =	vmul.f32 $4.000000000e+00, v26;
	v27 =	vadd.f32 v38, v27;
	v38 =	vld [tilespmem:s21+$0x8440]  }
0xf4: {  	v25 =	vadd.f32 v2, v25;
	v24 =	vmul.f32 $4.000000000e+00, v24;
	v23 =	vadd.f32 v23, v28;
	v28 =	vld [tilespmem:s21+$0x8450]  }
0xf5: {  	v26 =	vadd.f32 v2, v26;
	v27 =	vmul.f32 $4.000000000e+00, v27;
	v29 =	vadd.f32 v35, v29;
	v35 =	vld [tilespmem:s21+$0x8460]  }
0xf6: {  	v24 =	vadd.f32 v2, v24;
	v23 =	vmul.f32 $4.000000000e+00, v23;
	v30 =	vadd.f32 v36, v30;
	[tilespmem:v19+s13+$0x0] =	vst.idx.add.f32.msk $0xffff, v3  }
0xf7: {  	v27 =	vadd.f32 v2, v27;
	v19 =	vmul.f32 $4.000000000e+00, v29;
	v29 =	vadd.f32 v37, v31;
	[tilespmem:v17+s13+$0x0] =	vst.idx.add.f32.msk $0xffff, v3  }
0xf8: {  	v31 =	vadd.f32 v2, v23;
	v17 =	vmul.f32 $4.000000000e+00, v30;
	v23 =	vadd.f32 v38, v32;
	[tilespmem:v16+s13+$0x0] =	vst.idx.add.f32.msk $0xffff, v3  }
0xf9: {  	v30 =	vadd.f32 v2, v19;
	v16 =	vmul.f32 $4.000000000e+00, v29;
	v19 =	vadd.f32 v28, v33;
	[tilespmem:v15+s13+$0x0] =	vst.idx.add.f32.msk $0xffff, v3  }
0xfa: {  	v28 =	vadd.f32 v2, v17;
	v17 =	vmul.f32 $4.000000000e+00, v23;
	v23 =	vadd.f32 v35, v34;
	[tilespmem:v14+s13+$0x0] =	vst.idx.add.f32.msk $0xffff, v3  }
0xfb: {  	v14 =	vtrunc.f32 v22;
	v15 =	vadd.f32 v2, v16;
	v19 =	vmul.f32 $4.000000000e+00, v19;
	[tilespmem:v13+s13+$0x0] =	vst.idx.add.f32.msk $0xffff, v3  }
.Ltmp0:
0xfc: {  	v13 =	vtrunc.f32 v20;
	v16 =	vadd.f32 v2, v17;
	v20 =	vmul.f32 $4.000000000e+00, v23;
	[tilespmem:v12+s13+$0x0] =	vst.idx.add.f32.msk $0xffff, v3;
	(pc) =	sbr.rel @p0 .LBB2_2-.Ltmp0, $4  }
0xfd: {  	v21 =	vtrunc.f32 v21;
	v12 =	vtrunc.f32 v25;
	v17 =	vadd.f32 v2, v19;
	[tilespmem:v11+s13+$0x0] =	vst.idx.add.f32.msk $0xffff, v3  }
0xfe: {  	v22 =	vtrunc.f32 v26;
	v11 =	vtrunc.f32 v24;
	v19 =	vadd.f32 v2, v20;
	[tilespmem:v10+s13+$0x0] =	vst.idx.add.f32.msk $0xffff, v3  }
0xff: {  	v23 =	vtrunc.f32 v27;
	v10 =	vtrunc.f32 v31;
	[tilespmem:v9+s13+$0x0] =	vst.idx.add.f32.msk $0xffff, v3  }
0x100: {  	v20 =	vtrunc.f32 v28;
	v9 =	vtrunc.f32 v30;
	[tilespmem:v8+s13+$0x0] =	vst.idx.add.f32.msk $0xffff, v3  }
0x101: {  	_ =	sdelay $0x1  }
0x102: {  	v8 =	vcvt.f32.s32 v18  }
0x103: {  	v14 =	vcvt.f32.s32 v14  }
0x104: {  	[tilespmem:v7+s13+$0x0] =	vst.idx.add.f32.msk $0xffff, v3;
	v7 =	vcvt.f32.s32 v13  }
0x105: {  	[tilespmem:v6+s13+$0x0] =	vst.idx.add.f32.msk $0xffff, v3;
	v6 =	vcvt.f32.s32 v21  }
0x106: {  	[tilespmem:v5+s13+$0x0] =	vst.idx.add.f32.msk $0xffff, v3;
	v5 =	vcvt.f32.s32 v12  }
0x107: {  	[tilespmem:v4+s13+$0x0] =	vst.idx.add.f32.msk $0xffff, v3;
	v4 =	vcvt.f32.s32 v22  }
0x108: {  	v11 =	vcvt.f32.s32 v11;
	[tilespmem:v8+s13+$0x0] =	vst.idx.add.f32.msk $0xffff, v3  }
0x109: {  	v10 =	vcvt.f32.s32 v10;
	[tilespmem:v14+s13+$0x0] =	vst.idx.add.f32.msk $0xffff, v3  }
0x10a: {  	v8 =	vcvt.f32.s32 v23;
	[tilespmem:v7+s13+$0x0] =	vst.idx.add.f32.msk $0xffff, v3  }
0x10b: {  	v7 =	vcvt.f32.s32 v9;
	[tilespmem:v6+s13+$0x0] =	vst.idx.add.f32.msk $0xffff, v3  }
0x10c: {  	v6 =	vtrunc.f32 v15;
	v9 =	vcvt.f32.s32 v20;
	[tilespmem:v5+s13+$0x0] =	vst.idx.add.f32.msk $0xffff, v3  }
0x10d: {  	v5 =	vtrunc.f32 v16;
	[tilespmem:v4+s13+$0x0] =	vst.idx.add.f32.msk $0xffff, v3;
	v6 =	vcvt.f32.s32 v6  }
0x10e: {  	v4 =	vtrunc.f32 v17;
	[tilespmem:v11+s13+$0x0] =	vst.idx.add.f32.msk $0xffff, v3;
	v5 =	vcvt.f32.s32 v5  }
0x10f: {  	v11 =	vtrunc.f32 v19;
	[tilespmem:v10+s13+$0x0] =	vst.idx.add.f32.msk $0xffff, v3;
	v4 =	vcvt.f32.s32 v4  }
0x110: {  	[tilespmem:v8+s13+$0x0] =	vst.idx.add.f32.msk $0xffff, v3;
	v8 =	vcvt.f32.s32 v11  }
0x111: {  	[tilespmem:v7+s13+$0x0] =	vst.idx.add.f32.msk $0xffff, v3  }
0x112: {  	[tilespmem:v9+s13+$0x0] =	vst.idx.add.f32.msk $0xffff, v3  }
0x113: {  	[tilespmem:v6+s13+$0x0] =	vst.idx.add.f32.msk $0xffff, v3  }
0x114: {  	[tilespmem:v5+s13+$0x0] =	vst.idx.add.f32.msk $0xffff, v3  }
0x115: {  	[tilespmem:v4+s13+$0x0] =	vst.idx.add.f32.msk $0xffff, v3  }
0x116: {  	[tilespmem:v8+s13+$0x0] =	vst.idx.add.f32.msk $0xffff, v3  }
0x117: {  	_ =	swait.ge [sflag:s14], $0x4000  }
0x118: {  	s18 =	simm.s32 $0x20000;
	[sflag:s14] =	ssyncset.done $0x0  }
0x119: {  	s19 =	simm.s32 $0x4000;
	s20 =	simm.s32 $0x800;
	[sflag:s14] =	ssyncadd.s32 $0xFFFFC000  }
0x11a: {  	s19 =	sand.u32 $0x6000, s19;
	s18 =	sand.u32 $0x1800, s18;
	_ =	swait.ge [sflag:s14], $0x4000  }
0x11b: {  	s30 =	sand.u32 $0x380, s20;
	s18 =	sor.u32 s19, s18;
	[sflag:s14] =	ssyncset.done $0x0  }
0x11c: {  	s18 =	sor.u32 s30, s18;
	[sflag:s14] =	ssyncadd.s32 $0xFFFFC000  }
0x11d: {  	v4 =	vld [tilespmem:s18+$0x470]  }
0x11e: {  	v5 =	vld [tilespmem:s18+$0x0]  }
0x11f: {  	v6 =	vld [tilespmem:s18+$0x8470]  }
0x120: {  	v7 =	vld [tilespmem:s18+$0x10]  }
0x121: {  	v8 =	vld [tilespmem:s18+$0x20]  }
0x122: {  	v9 =	vld [tilespmem:s18+$0x30]  }
0x123: {  	v10 =	vld [tilespmem:s18+$0x40]  }
0x124: {  	v11 =	vld [tilespmem:s18+$0x50]  }
0x125: {  	v12 =	vld [tilespmem:s18+$0x60]  }
0x126: {  	v13 =	vld [tilespmem:s18+$0x70]  }
0x127: {  	v14 =	vld [tilespmem:s18+$0x400]  }
0x128: {  	v15 =	vld [tilespmem:s18+$0x410]  }
0x129: {  	v16 =	vld [tilespmem:s18+$0x420]  }
0x12a: {  	v17 =	vld [tilespmem:s18+$0x430]  }
0x12b: {  	v18 =	vld [tilespmem:s18+$0x450]  }
0x12c: {  	v19 =	vld [tilespmem:s18+$0x460]  }
0x12d: {  	v20 =	vld [tilespmem:s18+$0x8000]  }
0x12e: {  	v21 =	vld [tilespmem:s18+$0x8010];
	v4 =	vmul.f32 $1.600000000e+01, v4;
	v5 =	vmul.f32 $1.600000000e+01, v5  }
0x12f: {  	v22 =	vld [tilespmem:s18+$0x8020];
	v7 =	vmul.f32 $1.600000000e+01, v7;
	v8 =	vmul.f32 $1.600000000e+01, v8  }
0x130: {  	v23 =	vld [tilespmem:s18+$0x8030];
	v9 =	vmul.f32 $1.600000000e+01, v9;
	v10 =	vmul.f32 $1.600000000e+01, v10  }
0x131: {  	v24 =	vld [tilespmem:s18+$0x8040];
	v11 =	vmul.f32 $1.600000000e+01, v11;
	v12 =	vmul.f32 $1.600000000e+01, v12  }
0x132: {  	v32 =	vld [tilespmem:s18+$0x8460];
	v13 =	vmul.f32 $1.600000000e+01, v13;
	v14 =	vmul.f32 $1.600000000e+01, v14  }
0x133: {  	v15 =	vmul.f32 $1.600000000e+01, v15;
	v16 =	vmul.f32 $1.600000000e+01, v16;
	v4 =	vadd.f32 v6, v4;
	v6 =	vld [tilespmem:s18+$0x440]  }
0x134: {  	v17 =	vmul.f32 $1.600000000e+01, v17;
	v18 =	vmul.f32 $1.600000000e+01, v18;
	v5 =	vadd.f32 v20, v5;
	v20 =	vld [tilespmem:s18+$0x8050]  }
0x135: {  	v19 =	vmul.f32 $1.600000000e+01, v19;
	v7 =	vadd.f32 v21, v7;
	v21 =	vld [tilespmem:s18+$0x8060];
	v8 =	vadd.f32 v22, v8  }
0x136: {  	v22 =	vld [tilespmem:s18+$0x8070];
	v9 =	vadd.f32 v23, v9;
	v4 =	vmul.f32 $4.000000000e+00, v4;
	v5 =	vmul.f32 $4.000000000e+00, v5  }
0x137: {  	v23 =	vld [tilespmem:s18+$0x8400];
	v10 =	vadd.f32 v24, v10;
	v19 =	vadd.f32 v32, v19;
	v7 =	vmul.f32 $4.000000000e+00, v7  }
0x138: {  	v31 =	vld [tilespmem:s18+$0x8410];
	v8 =	vmul.f32 $4.000000000e+00, v8;
	v4 =	vadd.f32 v2, v4;
	v5 =	vadd.f32 v2, v5  }
0x139: {  	v9 =	vmul.f32 $4.000000000e+00, v9;
	v7 =	vadd.f32 v2, v7;
	v11 =	vadd.f32 v20, v11;
	v20 =	vld [tilespmem:s18+$0x8420]  }
0x13a: {  	v10 =	vmul.f32 $4.000000000e+00, v10;
	v8 =	vadd.f32 v2, v8;
	v12 =	vadd.f32 v21, v12;
	v21 =	vld [tilespmem:s18+$0x8430]  }
0x13b: {  	v19 =	vmul.f32 $4.000000000e+00, v19;
	v9 =	vadd.f32 v2, v9;
	v13 =	vadd.f32 v22, v13;
	v22 =	vld [tilespmem:s18+$0x8440]  }
0x13c: {  	s19 =	simm.s32 $0x20800;
	v6 =	vmul.f32 $1.600000000e+01, v6;
	v14 =	vadd.f32 v23, v14;
	v23 =	vld [tilespmem:s18+$0x8450];
	s18 =	simm.s32 $0x4100;
	v4 =	vtrunc.f32 v4  }
0x13d: {  	s20 =	simm.s32 $0x820;
	s22 =	sand.u32 $0x1800, s19;
	v10 =	vadd.f32 v2, v10;
	s21 =	sand.u32 $0x6000, s18;
	v5 =	vtrunc.f32 v5;
	v7 =	vtrunc.f32 v7  }
0x13e: {  	s31 =	sand.u32 $0x380, s20;
	v19 =	vadd.f32 v2, v19;
	v8 =	vtrunc.f32 v8;
	v9 =	vtrunc.f32 v9;
	s21 =	sor.u32 s21, s22  }
0x13f: {  	v10 =	vtrunc.f32 v10;
	v4 =	vcvt.f32.s32 v4;
	s21 =	sor.u32 s31, s21  }
0x140: {  	v19 =	vtrunc.f32 v19;
	v11 =	vmul.f32 $4.000000000e+00, v11;
	v24 =	vld [tilespmem:s21+$0x30]  }
0x141: {  	v12 =	vmul.f32 $4.000000000e+00, v12;
	v13 =	vmul.f32 $4.000000000e+00, v13;
	v25 =	vld [tilespmem:s21+$0x40]  }
0x142: {  	v15 =	vadd.f32 v31, v15;
	v14 =	vmul.f32 $4.000000000e+00, v14;
	v28 =	vcvt.f32.s32 v5;
	v26 =	vld [tilespmem:s21+$0x50]  }
0x143: {  	v30 =	vcvt.f32.s32 v7;
	v8 =	vcvt.f32.s32 v8;
	v11 =	vadd.f32 v2, v11;
	v27 =	vld [tilespmem:s21+$0x70]  }
0x144: {  	v9 =	vcvt.f32.s32 v9;
	v29 =	vld [tilespmem:s21+$0x400];
	v16 =	vadd.f32 v20, v16;
	v17 =	vadd.f32 v21, v17  }
0x145: {  	v12 =	vadd.f32 v2, v12;
	v13 =	vadd.f32 v2, v13;
	[tilespmem:v4+s13+$0x0] =	vst.idx.add.f32.msk $0xffff, v3;
	v4 =	vmul.f32 $4.000000000e+00, v15  }
0x146: {  	v15 =	vmul.f32 $4.000000000e+00, v16;
	v16 =	vmul.f32 $4.000000000e+00, v17;
	v17 =	vadd.f32 v23, v18;
	v18 =	vld [tilespmem:s21+$0x470]  }
0x147: {  	v10 =	vcvt.f32.s32 v10;
	v14 =	vadd.f32 v2, v14;
	v6 =	vadd.f32 v22, v6;
	v22 =	vld [tilespmem:s21+$0x10]  }
0x148: {  	v11 =	vtrunc.f32 v11;
	v12 =	vtrunc.f32 v12;
	v23 =	vld [tilespmem:s21+$0x20];
	v4 =	vadd.f32 v2, v4  }
0x149: {  	v21 =	vld [tilespmem:s21+$0x8470];
	v13 =	vtrunc.f32 v13;
	v14 =	vtrunc.f32 v14  }
0x14a: {  	v31 =	vld [tilespmem:s21+$0x410];
	v35 =	vcvt.f32.s32 v13;
	v4 =	vtrunc.f32 v4  }
0x14b: {  	v32 =	vld [tilespmem:s21+$0x430];
	v18 =	vmul.f32 $1.600000000e+01, v18;
	v37 =	vcvt.f32.s32 v4  }
0x14c: {  	v33 =	vld [tilespmem:s21+$0x440];
	v4 =	vcvt.f32.s32 v19;
	v19 =	vmul.f32 $1.600000000e+01, v22  }
0x14d: {  	v20 =	vld [tilespmem:s21+$0x0];
	v15 =	vadd.f32 v2, v15;
	v22 =	vmul.f32 $1.600000000e+01, v23;
	v23 =	vmul.f32 $1.600000000e+01, v24  }
0x14e: {  	v24 =	vmul.f32 $1.600000000e+01, v25;
	v25 =	vmul.f32 $1.600000000e+01, v26;
	v26 =	vld [tilespmem:s21+$0x8030];
	v18 =	vadd.f32 v21, v18  }
0x14f: {  	v36 =	vcvt.f32.s32 v14;
	v13 =	vld [tilespmem:s21+$0x450];
	v17 =	vmul.f32 $4.000000000e+00, v17;
	v16 =	vadd.f32 v2, v16  }
0x150: {  	v14 =	vld [tilespmem:s21+$0x460];
	v15 =	vtrunc.f32 v15;
	v18 =	vmul.f32 $4.000000000e+00, v18  }
0x151: {  	v16 =	vtrunc.f32 v16;
	v38 =	vcvt.f32.s32 v15;
	v15 =	vld [tilespmem:s21+$0x8000]  }
0x152: {  	v6 =	vmul.f32 $4.000000000e+00, v6;
	v7 =	vcvt.f32.s32 v16;
	v16 =	vld [tilespmem:s21+$0x8010];
	v5 =	vadd.f32 v2, v18  }
0x153: {  	v11 =	vcvt.f32.s32 v11;
	v17 =	vadd.f32 v2, v17;
	v23 =	vadd.f32 v26, v23;
	v26 =	vld [tilespmem:s21+$0x8400]  }
0x154: {  	v29 =	vmul.f32 $1.600000000e+01, v29;
	v21 =	vld [tilespmem:s21+$0x60];
	v5 =	vtrunc.f32 v5  }
0x155: {  	v17 =	vtrunc.f32 v17;
	v18 =	vld [tilespmem:s21+$0x420];
	v34 =	vcvt.f32.s32 v5  }
0x156: {  	v5 =	vcvt.f32.s32 v17;
	v17 =	vmul.f32 $1.600000000e+01, v20;
	v20 =	vld [tilespmem:s21+$0x8020]  }
0x157: {  	v12 =	vcvt.f32.s32 v12;
	v16 =	vadd.f32 v16, v19;
	v19 =	vmul.f32 $1.600000000e+01, v33;
	v33 =	vld [tilespmem:s21+$0x8410]  }
0x158: {  	v6 =	vadd.f32 v2, v6;
	v27 =	vmul.f32 $1.600000000e+01, v27;
	v26 =	vadd.f32 v26, v29;
	v29 =	vld [tilespmem:s21+$0x8450]  }
0x159: {  	v31 =	vmul.f32 $1.600000000e+01, v31;
	v32 =	vmul.f32 $1.600000000e+01, v32;
	v15 =	vadd.f32 v15, v17;
	v17 =	vld [tilespmem:s21+$0x8050]  }
0x15a: {  	v6 =	vtrunc.f32 v6;
	v39 =	vmul.f32 $1.600000000e+01, v18;
	v18 =	vld [tilespmem:s21+$0x8060]  }
0x15b: {  	v6 =	vcvt.f32.s32 v6;
	v16 =	vmul.f32 $4.000000000e+00, v16;
	v20 =	vadd.f32 v20, v22;
	v22 =	vld [tilespmem:s21+$0x8070]  }
0x15c: {  	v13 =	vmul.f32 $1.600000000e+01, v13;
	v14 =	vmul.f32 $1.600000000e+01, v14;
	[tilespmem:v34+s13+$0x0] =	vst.idx.add.f32.msk $0xffff, v3  }
0x15d: {  	v21 =	vmul.f32 $1.600000000e+01, v21;
	v23 =	vmul.f32 $4.000000000e+00, v23;
	v16 =	vadd.f32 v2, v16;
	v34 =	vld [tilespmem:s21+$0x8040]  }
0x15e: {  	v15 =	vmul.f32 $4.000000000e+00, v15;
	v13 =	vadd.f32 v29, v13;
	v17 =	vadd.f32 v17, v25;
	v25 =	vld [tilespmem:s21+$0x8420]  }
0x15f: {  	v23 =	vadd.f32 v2, v23;
	v20 =	vmul.f32 $4.000000000e+00, v20;
	v18 =	vadd.f32 v18, v21;
	v21 =	vld [tilespmem:s21+$0x8430]  }
0x160: {  	[tilespmem:v10+s13+$0x0] =	vst.idx.add.f32.msk $0xffff, v3;
	v31 =	vadd.f32 v33, v31;
	v15 =	vadd.f32 v2, v15;
	v10 =	vmul.f32 $4.000000000e+00, v13  }
0x161: {  	v20 =	vadd.f32 v2, v20;
	v17 =	vmul.f32 $4.000000000e+00, v17;
	v22 =	vadd.f32 v22, v27  }
0x162: {  	v33 =	vld [tilespmem:s21+$0x8460];
	v24 =	vadd.f32 v34, v24;
	v34 =	vmul.f32 $4.000000000e+00, v18;
	v18 =	vtrunc.f32 v15  }
0x163: {  	v27 =	vld [tilespmem:s21+$0x8440];
	v17 =	vadd.f32 v2, v17;
	v15 =	vmul.f32 $4.000000000e+00, v26;
	v13 =	vtrunc.f32 v20  }
0x164: {  	[tilespmem:v28+s13+$0x0] =	vst.idx.add.f32.msk $0xffff, v3;
	v22 =	vmul.f32 $4.000000000e+00, v22;
	v25 =	vadd.f32 v25, v39;
	v21 =	vadd.f32 v21, v32  }
0x165: {  	[tilespmem:v8+s13+$0x0] =	vst.idx.add.f32.msk $0xffff, v3;
	v24 =	vmul.f32 $4.000000000e+00, v24;
	v34 =	vadd.f32 v2, v34;
	v8 =	vadd.f32 v2, v15  }
0x166: {  	[tilespmem:v30+s13+$0x0] =	vst.idx.add.f32.msk $0xffff, v3;
	v26 =	vadd.f32 v2, v22;
	v22 =	vmul.f32 $4.000000000e+00, v31;
	v15 =	vmul.f32 $4.000000000e+00, v25  }
0x167: {  	[tilespmem:v9+s13+$0x0] =	vst.idx.add.f32.msk $0xffff, v3;
	v9 =	vmul.f32 $4.000000000e+00, v21;
	v21 =	vadd.f32 v33, v14;
	v14 =	vtrunc.f32 v16  }
0x168: {  	[tilespmem:v11+s13+$0x0] =	vst.idx.add.f32.msk $0xffff, v3;
	v24 =	vadd.f32 v2, v24;
	v19 =	vadd.f32 v27, v19;
	v11 =	vtrunc.f32 v34  }
0x169: {  	[tilespmem:v12+s13+$0x0] =	vst.idx.add.f32.msk $0xffff, v3;
	v33 =	vadd.f32 v2, v22;
	v39 =	vadd.f32 v2, v15;
	v20 =	vmul.f32 $4.000000000e+00, v21  }
0x16a: {  	[tilespmem:v35+s13+$0x0] =	vst.idx.add.f32.msk $0xffff, v3;
	v15 =	vadd.f32 v2, v9;
	v21 =	vtrunc.f32 v23;
	v19 =	vmul.f32 $4.000000000e+00, v19  }
0x16b: {  	[tilespmem:v36+s13+$0x0] =	vst.idx.add.f32.msk $0xffff, v3;
	v22 =	vtrunc.f32 v17;
	v17 =	vadd.f32 v2, v10;
	v23 =	vtrunc.f32 v26  }
0x16c: {  	[tilespmem:v37+s13+$0x0] =	vst.idx.add.f32.msk $0xffff, v3;
	v10 =	vtrunc.f32 v8;
	v12 =	vtrunc.f32 v24;
	v16 =	vadd.f32 v2, v19  }
0x16d: {  	[tilespmem:v38+s13+$0x0] =	vst.idx.add.f32.msk $0xffff, v3;
	v9 =	vtrunc.f32 v33;
	v19 =	vadd.f32 v2, v20;
	v20 =	vtrunc.f32 v39  }
.LBB2_4:
0x16e: {  	s18 =	sadd.s32 $0x100, s18;
	v24 =	vtrunc.f32 v15;
	v25 =	vtrunc.f32 v16;
	s19 =	sadd.s32 $0x800, s19;
	[tilespmem:v7+s13+$0x0] =	vst.idx.add.f32.msk $0xffff, v3  }
0x16f: {  	v26 =	vtrunc.f32 v17;
	v27 =	vtrunc.f32 v19;
	s20 =	sadd.s32 $0x20, s20;
	s21 =	sand.u32 $0x6000, s18;
	s22 =	sand.u32 $0x1800, s19;
	[tilespmem:v6+s13+$0x0] =	vst.idx.add.f32.msk $0xffff, v3  }
0x170: {  	v19 =	vcvt.f32.s32 v18;
	v17 =	vcvt.f32.s32 v14;
	p0 =	slt.u32 s18, $0x7F00;
	s21 =	sor.u32 s21, s22;
	s22 =	sand.u32 $0x380, s20;
	[tilespmem:v5+s13+$0x0] =	vst.idx.add.f32.msk $0xffff, v3  }
0x171: {  	v16 =	vcvt.f32.s32 v13;
	v15 =	vcvt.f32.s32 v21;
	s21 =	sor.u32 s22, s21;
	[tilespmem:v4+s13+$0x0] =	vst.idx.add.f32.msk $0xffff, v3  }
0x172: {  	v14 =	vcvt.f32.s32 v12;
	v13 =	vcvt.f32.s32 v22;
	v4 =	vld [tilespmem:s21+$0x470]  }
0x173: {  	v12 =	vcvt.f32.s32 v11;
	v11 =	vcvt.f32.s32 v23;
	v18 =	vld [tilespmem:s21+$0x0]  }
0x174: {  	v10 =	vcvt.f32.s32 v10;
	v9 =	vcvt.f32.s32 v9;
	v21 =	vld [tilespmem:s21+$0x8470]  }
0x175: {  	v8 =	vcvt.f32.s32 v20;
	v7 =	vcvt.f32.s32 v24;
	v22 =	vld [tilespmem:s21+$0x10]  }
0x176: {  	v6 =	vcvt.f32.s32 v25;
	v5 =	vcvt.f32.s32 v26;
	v20 =	vld [tilespmem:s21+$0x20]  }
0x177: {  	v23 =	vld [tilespmem:s21+$0x30];
	v24 =	vmul.f32 $1.600000000e+01, v4;
	v4 =	vcvt.f32.s32 v27  }
0x178: {  	v18 =	vmul.f32 $1.600000000e+01, v18;
	v25 =	vld [tilespmem:s21+$0x40]  }
0x179: {  	v26 =	vld [tilespmem:s21+$0x50];
	v21 =	vadd.f32 v21, v24  }
0x17a: {  	v22 =	vmul.f32 $1.600000000e+01, v22;
	v24 =	vld [tilespmem:s21+$0x60]  }
0x17b: {  	v20 =	vmul.f32 $1.600000000e+01, v20;
	v27 =	vld [tilespmem:s21+$0x70];
	v21 =	vmul.f32 $4.000000000e+00, v21  }
0x17c: {  	v23 =	vmul.f32 $1.600000000e+01, v23;
	v28 =	vld [tilespmem:s21+$0x400]  }
0x17d: {  	v25 =	vmul.f32 $1.600000000e+01, v25;
	v29 =	vld [tilespmem:s21+$0x410];
	v21 =	vadd.f32 v2, v21  }
0x17e: {  	v26 =	vmul.f32 $1.600000000e+01, v26;
	v30 =	vld [tilespmem:s21+$0x420]  }
0x17f: {  	v24 =	vmul.f32 $1.600000000e+01, v24;
	v31 =	vld [tilespmem:s21+$0x430];
	v21 =	vtrunc.f32 v21  }
0x180: {  	v27 =	vmul.f32 $1.600000000e+01, v27;
	v32 =	vld [tilespmem:s21+$0x440];
	v21 =	vcvt.f32.s32 v21  }
0x181: {  	v28 =	vmul.f32 $1.600000000e+01, v28;
	v33 =	vld [tilespmem:s21+$0x450]  }
0x182: {  	v29 =	vmul.f32 $1.600000000e+01, v29;
	v34 =	vld [tilespmem:s21+$0x460]  }
0x183: {  	v35 =	vld [tilespmem:s21+$0x8000];
	v30 =	vmul.f32 $1.600000000e+01, v30  }
0x184: {  	v36 =	vld [tilespmem:s21+$0x8010];
	v31 =	vmul.f32 $1.600000000e+01, v31  }
0x185: {  	v37 =	vld [tilespmem:s21+$0x8020];
	v32 =	vmul.f32 $1.600000000e+01, v32  }
0x186: {  	v33 =	vmul.f32 $1.600000000e+01, v33;
	[tilespmem:v21+s13+$0x0] =	vst.idx.add.f32.msk $0xffff, v3  }
0x187: {  	v21 =	vld [tilespmem:s21+$0x8030];
	v34 =	vmul.f32 $1.600000000e+01, v34  }
0x188: {  	v18 =	vadd.f32 v35, v18;
	v35 =	vld [tilespmem:s21+$0x8040]  }
0x189: {  	v22 =	vadd.f32 v36, v22;
	v36 =	vld [tilespmem:s21+$0x8050]  }
0x18a: {  	v18 =	vmul.f32 $4.000000000e+00, v18;
	v20 =	vadd.f32 v37, v20;
	v37 =	vld [tilespmem:s21+$0x8060]  }
0x18b: {  	v22 =	vmul.f32 $4.000000000e+00, v22;
	v38 =	vld [tilespmem:s21+$0x8070]  }
0x18c: {  	v18 =	vadd.f32 v2, v18;
	v20 =	vmul.f32 $4.000000000e+00, v20;
	v21 =	vadd.f32 v21, v23;
	v23 =	vld [tilespmem:s21+$0x8400]  }
0x18d: {  	v22 =	vadd.f32 v2, v22;
	v25 =	vadd.f32 v35, v25;
	v35 =	vld [tilespmem:s21+$0x8410]  }
0x18e: {  	v20 =	vadd.f32 v2, v20;
	v21 =	vmul.f32 $4.000000000e+00, v21;
	v26 =	vadd.f32 v36, v26;
	v36 =	vld [tilespmem:s21+$0x8420]  }
0x18f: {  	v18 =	vtrunc.f32 v18;
	v25 =	vmul.f32 $4.000000000e+00, v25;
	v24 =	vadd.f32 v37, v24;
	v37 =	vld [tilespmem:s21+$0x8430]  }
0x190: {  	v21 =	vadd.f32 v2, v21;
	v26 =	vmul.f32 $4.000000000e+00, v26;
	v27 =	vadd.f32 v38, v27;
	v38 =	vld [tilespmem:s21+$0x8440]  }
0x191: {  	v25 =	vadd.f32 v2, v25;
	v24 =	vmul.f32 $4.000000000e+00, v24;
	v23 =	vadd.f32 v23, v28;
	v28 =	vld [tilespmem:s21+$0x8450]  }
0x192: {  	v26 =	vadd.f32 v2, v26;
	v27 =	vmul.f32 $4.000000000e+00, v27;
	v29 =	vadd.f32 v35, v29;
	v35 =	vld [tilespmem:s21+$0x8460]  }
0x193: {  	v24 =	vadd.f32 v2, v24;
	v23 =	vmul.f32 $4.000000000e+00, v23;
	v30 =	vadd.f32 v36, v30;
	[tilespmem:v19+s13+$0x0] =	vst.idx.add.f32.msk $0xffff, v3  }
0x194: {  	v27 =	vadd.f32 v2, v27;
	v19 =	vmul.f32 $4.000000000e+00, v29;
	v29 =	vadd.f32 v37, v31;
	[tilespmem:v17+s13+$0x0] =	vst.idx.add.f32.msk $0xffff, v3  }
0x195: {  	v31 =	vadd.f32 v2, v23;
	v17 =	vmul.f32 $4.000000000e+00, v30;
	v23 =	vadd.f32 v38, v32;
	[tilespmem:v16+s13+$0x0] =	vst.idx.add.f32.msk $0xffff, v3  }
0x196: {  	v30 =	vadd.f32 v2, v19;
	v16 =	vmul.f32 $4.000000000e+00, v29;
	v19 =	vadd.f32 v28, v33;
	[tilespmem:v15+s13+$0x0] =	vst.idx.add.f32.msk $0xffff, v3  }
0x197: {  	v28 =	vadd.f32 v2, v17;
	v17 =	vmul.f32 $4.000000000e+00, v23;
	v23 =	vadd.f32 v35, v34;
	[tilespmem:v14+s13+$0x0] =	vst.idx.add.f32.msk $0xffff, v3  }
0x198: {  	v14 =	vtrunc.f32 v22;
	v15 =	vadd.f32 v2, v16;
	v19 =	vmul.f32 $4.000000000e+00, v19;
	[tilespmem:v13+s13+$0x0] =	vst.idx.add.f32.msk $0xffff, v3  }
.Ltmp1:
0x199: {  	v13 =	vtrunc.f32 v20;
	v16 =	vadd.f32 v2, v17;
	v20 =	vmul.f32 $4.000000000e+00, v23;
	[tilespmem:v12+s13+$0x0] =	vst.idx.add.f32.msk $0xffff, v3;
	(pc) =	sbr.rel @p0 .LBB2_4-.Ltmp1, $4  }
0x19a: {  	v21 =	vtrunc.f32 v21;
	v12 =	vtrunc.f32 v25;
	v17 =	vadd.f32 v2, v19;
	[tilespmem:v11+s13+$0x0] =	vst.idx.add.f32.msk $0xffff, v3  }
0x19b: {  	v22 =	vtrunc.f32 v26;
	v11 =	vtrunc.f32 v24;
	v19 =	vadd.f32 v2, v20;
	[tilespmem:v10+s13+$0x0] =	vst.idx.add.f32.msk $0xffff, v3  }
0x19c: {  	v23 =	vtrunc.f32 v27;
	v10 =	vtrunc.f32 v31;
	[tilespmem:v9+s13+$0x0] =	vst.idx.add.f32.msk $0xffff, v3  }
0x19d: {  	v20 =	vtrunc.f32 v28;
	v9 =	vtrunc.f32 v30;
	[tilespmem:v8+s13+$0x0] =	vst.idx.add.f32.msk $0xffff, v3  }
0x19e: {  	_ =	sdelay $0x1  }
0x19f: {  	v8 =	vcvt.f32.s32 v18  }
0x1a0: {  	v14 =	vcvt.f32.s32 v14  }
0x1a1: {  	[tilespmem:v7+s13+$0x0] =	vst.idx.add.f32.msk $0xffff, v3;
	v30 =	vcvt.f32.s32 v13  }
0x1a2: {  	[tilespmem:v6+s13+$0x0] =	vst.idx.add.f32.msk $0xffff, v3;
	v31 =	vcvt.f32.s32 v21  }
0x1a3: {  	[tilespmem:v5+s13+$0x0] =	vst.idx.add.f32.msk $0xffff, v3;
	v5 =	vcvt.f32.s32 v12  }
0x1a4: {  	[tilespmem:v4+s13+$0x0] =	vst.idx.add.f32.msk $0xffff, v3;
	v4 =	vcvt.f32.s32 v22  }
0x1a5: {  	v32 =	vcvt.f32.s32 v11;
	[tilespmem:v8+s13+$0x0] =	vst.idx.add.f32.msk $0xffff, v3  }
0x1a6: {  	v33 =	vcvt.f32.s32 v23;
	[tilespmem:v14+s13+$0x0] =	vst.idx.add.f32.msk $0xffff, v3  }
0x1a7: {  	v34 =	vcvt.f32.s32 v10;
	[tilespmem:v30+s13+$0x0] =	vst.idx.add.f32.msk $0xffff, v3  }
0x1a8: {  	v35 =	vcvt.f32.s32 v9;
	[tilespmem:v31+s13+$0x0] =	vst.idx.add.f32.msk $0xffff, v3  }
0x1a9: {  	v36 =	vcvt.f32.s32 v20;
	v38 =	vtrunc.f32 v19;
	[tilespmem:v5+s13+$0x0] =	vst.idx.add.f32.msk $0xffff, v3  }
0x1aa: {  	v37 =	vtrunc.f32 v17;
	v39 =	vcvt.f32.s32 v38;
	[tilespmem:v4+s13+$0x0] =	vst.idx.add.f32.msk $0xffff, v3  }
0x1ab: {  	v5 =	vtrunc.f32 v15;
	[tilespmem:v32+s13+$0x0] =	vst.idx.add.f32.msk $0xffff, v3;
	v8 =	vcvt.f32.s32 v37  }
0x1ac: {  	v4 =	vtrunc.f32 v16;
	[tilespmem:v33+s13+$0x0] =	vst.idx.add.f32.msk $0xffff, v3;
	v5 =	vcvt.f32.s32 v5  }
0x1ad: {  	[tilespmem:v34+s13+$0x0] =	vst.idx.add.f32.msk $0xffff, v3;
	v4 =	vcvt.f32.s32 v4  }
0x1ae: {  	[tilespmem:v35+s13+$0x0] =	vst.idx.add.f32.msk $0xffff, v3  }
0x1af: {  	[tilespmem:v36+s13+$0x0] =	vst.idx.add.f32.msk $0xffff, v3  }
0x1b0: {  	[tilespmem:v39+s13+$0x0] =	vst.idx.add.f32.msk $0xffff, v3  }
0x1b1: {  	[tilespmem:v8+s13+$0x0] =	vst.idx.add.f32.msk $0xffff, v3  }
0x1b2: {  	[tilespmem:v5+s13+$0x0] =	vst.idx.add.f32.msk $0xffff, v3  }
0x1b3: {  	[tilespmem:v4+s13+$0x0] =	vst.idx.add.f32.msk $0xffff, v3  }
0x1b4: {  	v5 =	vld [tilespmem:$0x1FDC0];
	_ =	sdelay $0x1  }
0x1b5: {  	v6 =	vld [tilespmem:$0x1FDD0];
	_ =	sdelay $0x1  }
0x1b6: {  	v7 =	vld [tilespmem:$0x1FDE0];
	_ =	sdelay $0x1  }
0x1b7: {  	v4 =	vld.idx.msk [tilespmem:v0+s13+$0x0], $0xffff;
	_ =	sdelay $0x1  }
0x1b8: {  	v5 =	vld.idx.msk [tilespmem:v5+s13+$0x0], $0xffff;
	_ =	sdelay $0x1  }
0x1b9: {  	v6 =	vld.idx.msk [tilespmem:v6+s13+$0x0], $0xffff  }
0x1ba: {  	v4 =	vadd.f32 $0.0e+00, v4  }
0x1bb: {  	v7 =	vld.idx.msk [tilespmem:v7+s13+$0x0], $0xffff  }
0x1bc: {  	v4 =	vadd.f32 v5, v4;
	_ =	sdelay $0x1  }
0x1bd: {  	v4 =	vadd.f32 v6, v4;
	_ =	sdelay $0x1  }
0x1be: {  	v4 =	vadd.f32 v7, v4;
	_ =	sdelay $0x1  }
0x1bf: {  	[tilespmem:$0x10400] =	vst v4;
	v4 =	vld [tilespmem:$0x1FDF0];
	_ =	sdelay $0x1  }
0x1c0: {  	v5 =	vld [tilespmem:$0x1FE00];
	_ =	sdelay $0x1  }
0x1c1: {  	v10 =	vld [tilespmem:$0x1FE10];
	_ =	sdelay $0x1  }
0x1c2: {  	v11 =	vld [tilespmem:$0x1FE20];
	_ =	sdelay $0x1  }
0x1c3: {  	v4 =	vld.idx.msk [tilespmem:v4+s13+$0x0], $0xffff;
	_ =	sdelay $0x1  }
0x1c4: {  	v5 =	vld.idx.msk [tilespmem:v5+s13+$0x0], $0xffff;
	_ =	sdelay $0x1  }
0x1c5: {  	v6 =	vld.idx.msk [tilespmem:v10+s13+$0x0], $0xffff  }
0x1c6: {  	v4 =	vadd.f32 $0.0e+00, v4  }
0x1c7: {  	v7 =	vld.idx.msk [tilespmem:v11+s13+$0x0], $0xffff  }
0x1c8: {  	v4 =	vadd.f32 v5, v4;
	_ =	sdelay $0x1  }
0x1c9: {  	v4 =	vadd.f32 v6, v4;
	_ =	sdelay $0x1  }
0x1ca: {  	v4 =	vadd.f32 v7, v4;
	_ =	sdelay $0x1  }
0x1cb: {  	[tilespmem:$0x10480] =	vst v4;
	v4 =	vld [tilespmem:$0x1FE30];
	_ =	sdelay $0x1  }
0x1cc: {  	v5 =	vld [tilespmem:$0x1FE40];
	_ =	sdelay $0x1  }
0x1cd: {  	v12 =	vld [tilespmem:$0x1FE50];
	_ =	sdelay $0x1  }
0x1ce: {  	v13 =	vld [tilespmem:$0x1FE60];
	_ =	sdelay $0x1  }
0x1cf: {  	v4 =	vld.idx.msk [tilespmem:v4+s13+$0x0], $0xffff;
	_ =	sdelay $0x1  }
0x1d0: {  	v5 =	vld.idx.msk [tilespmem:v5+s13+$0x0], $0xffff;
	_ =	sdelay $0x1  }
0x1d1: {  	v6 =	vld.idx.msk [tilespmem:v12+s13+$0x0], $0xffff  }
0x1d2: {  	v4 =	vadd.f32 $0.0e+00, v4  }
0x1d3: {  	v7 =	vld.idx.msk [tilespmem:v13+s13+$0x0], $0xffff  }
0x1d4: {  	v4 =	vadd.f32 v5, v4;
	_ =	sdelay $0x1  }
0x1d5: {  	v4 =	vadd.f32 v6, v4;
	_ =	sdelay $0x1  }
0x1d6: {  	v4 =	vadd.f32 v7, v4;
	_ =	sdelay $0x1  }
0x1d7: {  	[tilespmem:$0x10500] =	vst v4;
	v4 =	vld [tilespmem:$0x1FE70];
	_ =	sdelay $0x1  }
0x1d8: {  	v5 =	vld [tilespmem:$0x1FE80];
	_ =	sdelay $0x1  }
0x1d9: {  	v14 =	vld [tilespmem:$0x1FE90];
	_ =	sdelay $0x1  }
0x1da: {  	v15 =	vld [tilespmem:$0x1FEA0];
	_ =	sdelay $0x1  }
0x1db: {  	v4 =	vld.idx.msk [tilespmem:v4+s13+$0x0], $0xffff;
	_ =	sdelay $0x1  }
0x1dc: {  	v5 =	vld.idx.msk [tilespmem:v5+s13+$0x0], $0xffff;
	_ =	sdelay $0x1  }
0x1dd: {  	v6 =	vld.idx.msk [tilespmem:v14+s13+$0x0], $0xffff  }
0x1de: {  	v4 =	vadd.f32 $0.0e+00, v4  }
0x1df: {  	v7 =	vld.idx.msk [tilespmem:v15+s13+$0x0], $0xffff  }
0x1e0: {  	v4 =	vadd.f32 v5, v4;
	_ =	sdelay $0x1  }
0x1e1: {  	v4 =	vadd.f32 v6, v4;
	_ =	sdelay $0x1  }
0x1e2: {  	v4 =	vadd.f32 v7, v4;
	_ =	sdelay $0x1  }
0x1e3: {  	[tilespmem:$0x10580] =	vst v4;
	v4 =	vld [tilespmem:$0x1FEB0];
	_ =	sdelay $0x1  }
0x1e4: {  	v5 =	vld [tilespmem:$0x1FEC0];
	_ =	sdelay $0x1  }
0x1e5: {  	v16 =	vld [tilespmem:$0x1FED0];
	_ =	sdelay $0x1  }
0x1e6: {  	v17 =	vld [tilespmem:$0x1FEE0];
	_ =	sdelay $0x1  }
0x1e7: {  	v4 =	vld.idx.msk [tilespmem:v4+s13+$0x0], $0xffff;
	_ =	sdelay $0x1  }
0x1e8: {  	v5 =	vld.idx.msk [tilespmem:v5+s13+$0x0], $0xffff;
	_ =	sdelay $0x1  }
0x1e9: {  	v6 =	vld.idx.msk [tilespmem:v16+s13+$0x0], $0xffff  }
0x1ea: {  	v4 =	vadd.f32 $0.0e+00, v4  }
0x1eb: {  	v7 =	vld.idx.msk [tilespmem:v17+s13+$0x0], $0xffff  }
0x1ec: {  	v4 =	vadd.f32 v5, v4;
	_ =	sdelay $0x1  }
0x1ed: {  	v4 =	vadd.f32 v6, v4;
	_ =	sdelay $0x1  }
0x1ee: {  	v4 =	vadd.f32 v7, v4;
	_ =	sdelay $0x1  }
0x1ef: {  	[tilespmem:$0x10600] =	vst v4;
	v4 =	vld [tilespmem:$0x1FEF0];
	_ =	sdelay $0x1  }
0x1f0: {  	v5 =	vld [tilespmem:$0x1FF00];
	_ =	sdelay $0x1  }
0x1f1: {  	v18 =	vld [tilespmem:$0x1FF10];
	_ =	sdelay $0x1  }
0x1f2: {  	v19 =	vld [tilespmem:$0x1FF20];
	_ =	sdelay $0x1  }
0x1f3: {  	v4 =	vld.idx.msk [tilespmem:v4+s13+$0x0], $0xffff;
	_ =	sdelay $0x1  }
0x1f4: {  	v5 =	vld.idx.msk [tilespmem:v5+s13+$0x0], $0xffff;
	_ =	sdelay $0x1  }
0x1f5: {  	v6 =	vld.idx.msk [tilespmem:v18+s13+$0x0], $0xffff  }
0x1f6: {  	v4 =	vadd.f32 $0.0e+00, v4  }
0x1f7: {  	v7 =	vld.idx.msk [tilespmem:v19+s13+$0x0], $0xffff  }
0x1f8: {  	v4 =	vadd.f32 v5, v4;
	_ =	sdelay $0x1  }
0x1f9: {  	v4 =	vadd.f32 v6, v4;
	_ =	sdelay $0x1  }
0x1fa: {  	v4 =	vadd.f32 v7, v4;
	_ =	sdelay $0x1  }
0x1fb: {  	[tilespmem:$0x10680] =	vst v4;
	v4 =	vld [tilespmem:$0x1FF30];
	_ =	sdelay $0x1  }
0x1fc: {  	v5 =	vld [tilespmem:$0x1FF40];
	_ =	sdelay $0x1  }
0x1fd: {  	v20 =	vld [tilespmem:$0x1FF50];
	_ =	sdelay $0x1  }
0x1fe: {  	v21 =	vld [tilespmem:$0x1FF60];
	_ =	sdelay $0x1  }
0x1ff: {  	v4 =	vld.idx.msk [tilespmem:v4+s13+$0x0], $0xffff;
	_ =	sdelay $0x1  }
0x200: {  	v5 =	vld.idx.msk [tilespmem:v5+s13+$0x0], $0xffff;
	_ =	sdelay $0x1  }
0x201: {  	v6 =	vld.idx.msk [tilespmem:v20+s13+$0x0], $0xffff  }
0x202: {  	v4 =	vadd.f32 $0.0e+00, v4  }
0x203: {  	v7 =	vld.idx.msk [tilespmem:v21+s13+$0x0], $0xffff  }
0x204: {  	v4 =	vadd.f32 v5, v4;
	_ =	sdelay $0x1  }
0x205: {  	v4 =	vadd.f32 v6, v4;
	_ =	sdelay $0x1  }
0x206: {  	v4 =	vadd.f32 v7, v4;
	_ =	sdelay $0x1  }
0x207: {  	[tilespmem:$0x10700] =	vst v4;
	v4 =	vld [tilespmem:$0x1FF70];
	_ =	sdelay $0x1  }
0x208: {  	v5 =	vld [tilespmem:$0x1FF80];
	_ =	sdelay $0x1  }
0x209: {  	v22 =	vld [tilespmem:$0x1FF90];
	_ =	sdelay $0x1  }
0x20a: {  	v23 =	vld [tilespmem:$0x1FFA0];
	_ =	sdelay $0x1  }
0x20b: {  	v4 =	vld.idx.msk [tilespmem:v4+s13+$0x0], $0xffff;
	_ =	sdelay $0x1  }
0x20c: {  	v5 =	vld.idx.msk [tilespmem:v5+s13+$0x0], $0xffff;
	_ =	sdelay $0x1  }
0x20d: {  	v6 =	vld.idx.msk [tilespmem:v22+s13+$0x0], $0xffff  }
0x20e: {  	v4 =	vadd.f32 $0.0e+00, v4  }
0x20f: {  	v7 =	vld.idx.msk [tilespmem:v23+s13+$0x0], $0xffff  }
0x210: {  	v4 =	vadd.f32 v5, v4;
	_ =	sdelay $0x1  }
0x211: {  	v4 =	vadd.f32 v6, v4;
	_ =	sdelay $0x1  }
0x212: {  	v4 =	vadd.f32 v7, v4;
	_ =	sdelay $0x1  }
0x213: {  	[tilespmem:$0x10780] =	vst v4;
	v4 =	vld [tilespmem:$0x1FFB0];
	_ =	sdelay $0x1  }
0x214: {  	v5 =	vld [tilespmem:$0x1FFC0];
	_ =	sdelay $0x1  }
0x215: {  	v24 =	vld [tilespmem:$0x1FFD0];
	_ =	sdelay $0x1  }
0x216: {  	v25 =	vld [tilespmem:$0x1FFE0];
	_ =	sdelay $0x1  }
0x217: {  	v4 =	vld.idx.msk [tilespmem:v4+s13+$0x0], $0xffff;
	_ =	sdelay $0x1  }
0x218: {  	v5 =	vld.idx.msk [tilespmem:v5+s13+$0x0], $0xffff;
	_ =	sdelay $0x1  }
0x219: {  	v6 =	vld.idx.msk [tilespmem:v24+s13+$0x0], $0xffff  }
0x21a: {  	v4 =	vadd.f32 $0.0e+00, v4  }
0x21b: {  	v7 =	vld.idx.msk [tilespmem:v25+s13+$0x0], $0xffff  }
0x21c: {  	v4 =	vadd.f32 v5, v4;
	_ =	sdelay $0x1  }
0x21d: {  	v4 =	vadd.f32 v6, v4;
	_ =	sdelay $0x1  }
0x21e: {  	v4 =	vadd.f32 v7, v4;
	_ =	sdelay $0x1  }
0x21f: {  	[tilespmem:$0x10800] =	vst v4;
	v4 =	vld [tilespmem:$0x1FFF0];
	_ =	sdelay $0x7  }
0x220: {  	v4 =	vld.idx.msk [tilespmem:v4+s13+$0x0], $0xffff;
	_ =	sdelay $0x1  }
0x221: {  	v5 =	vld.idx.msk [tilespmem:v40+s13+$0x0], $0xffff;
	_ =	sdelay $0x1  }
0x222: {  	v26 =	vld.idx.msk [tilespmem:v41+s13+$0x0], $0xffff  }
0x223: {  	v4 =	vadd.f32 $0.0e+00, v4  }
0x224: {  	v27 =	vld.idx.msk [tilespmem:v42+s13+$0x0], $0xffff  }
0x225: {  	v4 =	vadd.f32 v5, v4;
	_ =	sdelay $0x1  }
0x226: {  	v4 =	vadd.f32 v26, v4;
	_ =	sdelay $0x1  }
0x227: {  	v4 =	vadd.f32 v27, v4;
	_ =	sdelay $0x1  }
0x228: {  	[tilespmem:$0x10880] =	vst v4  }
0x229: {  	v4 =	vld.idx.msk [tilespmem:v43+s13+$0x0], $0xffff;
	_ =	sdelay $0x1  }
0x22a: {  	v5 =	vld.idx.msk [tilespmem:v44+s13+$0x0], $0xffff;
	_ =	sdelay $0x1  }
0x22b: {  	v28 =	vld.idx.msk [tilespmem:v45+s13+$0x0], $0xffff  }
0x22c: {  	v4 =	vadd.f32 $0.0e+00, v4  }
0x22d: {  	v29 =	vld.idx.msk [tilespmem:v46+s13+$0x0], $0xffff  }
0x22e: {  	v4 =	vadd.f32 v5, v4;
	_ =	sdelay $0x1  }
0x22f: {  	v4 =	vadd.f32 v28, v4;
	_ =	sdelay $0x1  }
0x230: {  	v4 =	vadd.f32 v29, v4;
	_ =	sdelay $0x1  }
0x231: {  	[tilespmem:$0x10900] =	vst v4  }
0x232: {  	v4 =	vld.idx.msk [tilespmem:v47+s13+$0x0], $0xffff;
	_ =	sdelay $0x1  }
0x233: {  	v5 =	vld.idx.msk [tilespmem:v48+s13+$0x0], $0xffff;
	_ =	sdelay $0x1  }
0x234: {  	v30 =	vld.idx.msk [tilespmem:v49+s13+$0x0], $0xffff  }
0x235: {  	v4 =	vadd.f32 $0.0e+00, v4  }
0x236: {  	v31 =	vld.idx.msk [tilespmem:v50+s13+$0x0], $0xffff  }
0x237: {  	v4 =	vadd.f32 v5, v4;
	_ =	sdelay $0x1  }
0x238: {  	v4 =	vadd.f32 v30, v4;
	_ =	sdelay $0x1  }
0x239: {  	v4 =	vadd.f32 v31, v4;
	_ =	sdelay $0x1  }
0x23a: {  	[tilespmem:$0x10980] =	vst v4  }
0x23b: {  	v4 =	vld.idx.msk [tilespmem:v51+s13+$0x0], $0xffff;
	_ =	sdelay $0x1  }
0x23c: {  	v5 =	vld.idx.msk [tilespmem:v52+s13+$0x0], $0xffff;
	_ =	sdelay $0x1  }
0x23d: {  	v32 =	vld.idx.msk [tilespmem:v53+s13+$0x0], $0xffff  }
0x23e: {  	v4 =	vadd.f32 $0.0e+00, v4  }
0x23f: {  	v33 =	vld.idx.msk [tilespmem:v54+s13+$0x0], $0xffff  }
0x240: {  	v4 =	vadd.f32 v5, v4;
	_ =	sdelay $0x1  }
0x241: {  	v4 =	vadd.f32 v32, v4;
	_ =	sdelay $0x1  }
0x242: {  	v4 =	vadd.f32 v33, v4;
	_ =	sdelay $0x1  }
0x243: {  	[tilespmem:$0x10A00] =	vst v4  }
0x244: {  	v4 =	vld.idx.msk [tilespmem:v55+s13+$0x0], $0xffff;
	_ =	sdelay $0x1  }
0x245: {  	v5 =	vld.idx.msk [tilespmem:v56+s13+$0x0], $0xffff;
	_ =	sdelay $0x1  }
0x246: {  	v34 =	vld.idx.msk [tilespmem:v57+s13+$0x0], $0xffff  }
0x247: {  	v4 =	vadd.f32 $0.0e+00, v4  }
0x248: {  	v35 =	vld.idx.msk [tilespmem:v58+s13+$0x0], $0xffff  }
0x249: {  	v4 =	vadd.f32 v5, v4;
	_ =	sdelay $0x1  }
0x24a: {  	v4 =	vadd.f32 v34, v4;
	_ =	sdelay $0x1  }
0x24b: {  	v4 =	vadd.f32 v35, v4;
	_ =	sdelay $0x1  }
0x24c: {  	[tilespmem:$0x10A80] =	vst v4  }
0x24d: {  	v4 =	vld.idx.msk [tilespmem:v59+s13+$0x0], $0xffff;
	_ =	sdelay $0x1  }
0x24e: {  	v5 =	vld.idx.msk [tilespmem:v60+s13+$0x0], $0xffff;
	_ =	sdelay $0x1  }
0x24f: {  	v36 =	vld.idx.msk [tilespmem:v61+s13+$0x0], $0xffff  }
0x250: {  	v4 =	vadd.f32 $0.0e+00, v4  }
0x251: {  	v37 =	vld.idx.msk [tilespmem:v62+s13+$0x0], $0xffff  }
0x252: {  	v4 =	vadd.f32 v5, v4;
	_ =	sdelay $0x1  }
0x253: {  	v4 =	vadd.f32 v36, v4;
	_ =	sdelay $0x1  }
0x254: {  	v5 =	vor.u32 $0x3C1, v0;
	v4 =	vadd.f32 v37, v4;
	_ =	sdelay $0x1  }
0x255: {  	[tilespmem:$0x10B00] =	vst v4;
	v4 =	vor.u32 $0x3C2, v0  }
0x256: {  	v38 =	vld.idx.msk [tilespmem:v63+s13+$0x0], $0xffff  }
0x257: {  	v39 =	vor.u32 $0x3C3, v0  }
0x258: {  	v5 =	vld.idx.msk [tilespmem:v5+s13+$0x0], $0xffff;
	_ =	sdelay $0x1  }
0x259: {  	v4 =	vld.idx.msk [tilespmem:v4+s13+$0x0], $0xffff  }
0x25a: {  	v6 =	vadd.f32 $0.0e+00, v38  }
0x25b: {  	v7 =	vld.idx.msk [tilespmem:v39+s13+$0x0], $0xffff  }
0x25c: {  	v5 =	vadd.f32 v5, v6;
	_ =	sdelay $0x1  }
0x25d: {  	v4 =	vadd.f32 v4, v5;
	_ =	sdelay $0x1  }
0x25e: {  	s17 =	sadd.s32 $0x1, s17;
	v4 =	vadd.f32 v7, v4  }
0x25f: {  	p0 =	sne.s32 s17, s8  }
.Ltmp2:
0x260: {  	[tilespmem:$0x10B80] =	vst v4;
	(pc) =	sbr.rel @p0 .LBB2_1-.Ltmp2, $4  }
0x261: {  	[hbm4b:s7+s2] =	stream.linear.scatter [tilespmem:s15], [sflag:$0x3], $0x800, $0x38;
	[tilespmem:$0x10C00] =	vst v63  }
0x262: {  	_ =	swait.ge [sflag:s16], $0x800  }
0x263: {  	[sflag:s16] =	ssyncset.done $0x0  }
0x264: {  	[sflag:s16] =	ssyncadd.s32 $0xFFFFF800  }
0x265: {  	_ =	sfence.sel $0x180000  }
0x266: {  	[bflag:$0x0] =	sbarrier.arrive $0xFFFF  }
0x267: {  	p0 =	sne.s32 s1, $0x0;
	_ =	strace $0x90000047  }
0x268: {  	s0 =	sadd.s32 @!p0 $0x100000, s0;
	[bflag:$0x2] =	sbarrier.arrive $0xFFFF  }
0x269: {  	[sflag:s0] =	ssyncadd.tile.s32 @!p0 $0x1;
	_ =	shalt  }
.Lfunc_end2:
_tile_overlayer_lowered:
.L_overlay_start_2:
0x26a: {  	(tag) =	ssettag $0x2  }
0x26b: {  	s0 =	rddreg [dreg:$0x0];
	s2 =	stileid.u32  }
0x26c: {  	s1 =	rddreg [dreg:$0x1];
	p0 =	sne.s32 s2, $0x0  }
0x26d: {  	s3 =	rddreg [dreg:$0x2];
	[bflag:$0x3] =	sbarrier.arrive $0xFFFF;
	s2 =	simm.s32 @!p0 $0x1C03  }
0x26e: {  	[timem:s3], [sflag:s2] =	dma.local @!p0 [hbm:s0], s1  }
0x26f: {  	s0 =	simm.s32 @!p0 $0x3  }
0x270: {  	_ =	swait.ge @!p0 [sflag:s0], s1  }
0x271: {  	s1 =	ssub.s32 @!p0 $0x0, s1;
	[sflag:s0] =	ssyncset.done @!p0 $0x0  }
0x272: {  	[sflag:s0] =	ssyncadd.s32 @!p0 s1  }
0x273: {  	[bflag:$0x3] =	sbarrier.arrive $0xFFFF  }
0x274: {  	_ =	shalt  }

</sc_bundles>
